<compile_context>
chip_gen: v7x
topology: tpu7x:2x2x1
jax: 0.10.2.dev20260603
libtpu: 0.0.44.dev20260713+nightly
codegen_flags: <defaults>
</compile_context>

<pallas_src>
import functools

import jax
import jax.numpy as jnp
from jax import lax
from jax.experimental import pallas as pl
from jax.experimental.pallas import tpu as pltpu
from jax.experimental.pallas import tpu_sc as plsc

NC = 2
NS = 16
NW = NC * NS
SUB = 128
K = 4
CH = SUB * K


@functools.partial(jax.jit, static_argnums=(2, 3))
def _sc_gather(data, indices_3d, b, d):
    idx = indices_3d.astype(jnp.int32).reshape(b)
    b_per_w = b // NW
    nsteps = b_per_w // CH
    mesh = plsc.VectorSubcoreMesh(
        core_axis_name="c", subcore_axis_name="s",
        num_cores=NC, num_subcores=NS)

    @functools.partial(
        pl.kernel,
        out_type=jax.ShapeDtypeStruct((b, 2 * d), jnp.float32),
        mesh=mesh,
        scratch_types=[
            pltpu.VMEM((b_per_w,), jnp.int32),
            pltpu.VMEM((3, CH, d), jnp.float32),
            pltpu.SemaphoreType.DMA,
            pltpu.SemaphoreType.DMA,
            pltpu.SemaphoreType.DMA,
            pltpu.SemaphoreType.DMA,
            pltpu.SemaphoreType.DMA,
            pltpu.SemaphoreType.DMA,
        ],
        compiler_params=pltpu.CompilerParams(use_tc_tiling_on_sc=False),
    )
    def body(data_hbm, idx_hbm, out_hbm, idx_v, rows_v,
             gsem0, gsem1, gsem2, wsem0, wsem1, wsem2):
        gsems = (gsem0, gsem1, gsem2)
        wsems = (wsem0, wsem1, wsem2)
        wid = lax.axis_index("s") * NC + lax.axis_index("c")
        pltpu.sync_copy(idx_hbm.at[pl.ds(wid * b_per_w, b_per_w)], idx_v)

        def g_descs(c, buf):
            return [
                pltpu.make_async_copy(
                    data_hbm.at[idx_v.at[pl.ds(c * CH + j * SUB, SUB)]],
                    rows_v.at[buf, pl.ds(j * SUB, SUB)],
                    gsems[buf])
                for j in range(K)
            ]

        def g_start(c, buf):
            for dd in g_descs(c, buf):
                dd.start()

        def g_wait(c, buf):
            for dd in g_descs(c, buf):
                dd.wait()

        def w_desc(c, buf):
            return pltpu.make_async_copy(
                rows_v.at[buf],
                out_hbm.at[pl.ds(wid * b_per_w + c * CH, CH), pl.ds(0, d)],
                wsems[buf])

        assert nsteps >= 6 and (nsteps - 5) % 3 == 0
        g_start(0, 0)
        g_start(1, 1)
        g_start(2, 2)
        for c in (0, 1):
            g_wait(c, c)
            w_desc(c, c).start()

        @pl.loop(0, (nsteps - 5) // 3)
        def _(g):
            for db in range(3):
                c = 3 * g + 2 + db
                buf = (2 + db) % 3
                nbuf = (buf + 1) % 3
                w_desc(c - 2, nbuf).wait()
                g_start(c + 1, nbuf)
                g_wait(c, buf)
                w_desc(c, buf).start()

        for c in (nsteps - 3, nsteps - 2):
            buf = c % 3
            nbuf = (buf + 1) % 3
            w_desc(c - 2, nbuf).wait()
            g_start(c + 1, nbuf)
            g_wait(c, buf)
            w_desc(c, buf).start()
        c_last = nsteps - 1
        g_wait(c_last, c_last % 3)
        w_desc(c_last, c_last % 3).start()
        for c in (nsteps - 3, nsteps - 2, nsteps - 1):
            w_desc(c, c % 3).wait()

    return body(data, idx)


def kernel(data, indices):
    orig_shape = indices.shape
    m = orig_shape[-1]
    assert m == 1 and data.ndim == 2
    d = data.shape[1]
    b = indices.size
    nsteps = b // (NW * CH)
    assert b % (NW * CH) == 0 and nsteps >= 6 and (nsteps - 5) % 3 == 0
    out = _sc_gather(data, indices, b, d)
    return out[:, :d].reshape(orig_shape[:-1] + (d,))

# --- scband reference (transcript-rebuilt; emitter-appended) ---
"""Pipeline reference for scband-gather-nd-91216515433159 (READ-ONLY COPY).

The authoritative reference and input builder live on the scoring server;
editing this copy changes nothing except your own understanding.
"""

import jax, jax.numpy as jnp
import numpy as np


def setup_inputs(seed: int = 0) -> dict:
    key = jax.random.key(seed)
    k1, k2 = jax.random.split(key)
    data = jax.random.normal(k1, (1000000, 64), dtype=jnp.float32)
    indices = jax.random.randint(k2, (4096, 200, 1), 0, 1000000, dtype=jnp.int64)
    return {"data": data, "indices": indices}


def reference(data, indices):
    orig_shape = indices.shape
    m = orig_shape[-1]
    n = data.ndim
    assert m <= n
    out_shape = tuple(orig_shape[:-1]) + tuple(data.shape)[m:]
    idx = indices.reshape((-1, m))
    # gather_nd: index data with the m leading coordinates per sample
    gathered = data[tuple(idx[:, i] for i in range(m))]
    return gathered.reshape(out_shape)

if __name__ == "__main__":
    import jax
    _d = setup_inputs()
    print(jax.jit(kernel)(*tuple(_d.values())))

</pallas_src>

<mosaic_0001>
#map = affine_map<(d0, d1) -> (0, 0)>
#map1 = affine_map<(d0, d1) -> (0)>
module attributes {stable_mosaic.version = 14 : i64} {
  func.func @body(%arg0: i32, %arg1: i32, %arg2: memref<1000000x64xf32, #tpu.memory_space<hbm>>, %arg3: memref<819200xi32, #tpu.memory_space<hbm>>, %arg4: memref<819200x128xf32, #tpu.memory_space<hbm>>, %arg5: memref<25600xi32, #tpu.memory_space<vmem>>, %arg6: memref<3x512x64xf32, #tpu.memory_space<vmem>>, %arg7: memref<!tpu.dma_semaphore, #tpu.memory_space<semaphore_mem>>, %arg8: memref<!tpu.dma_semaphore, #tpu.memory_space<semaphore_mem>>, %arg9: memref<!tpu.dma_semaphore, #tpu.memory_space<semaphore_mem>>, %arg10: memref<!tpu.dma_semaphore, #tpu.memory_space<semaphore_mem>>, %arg11: memref<!tpu.dma_semaphore, #tpu.memory_space<semaphore_mem>>, %arg12: memref<!tpu.dma_semaphore, #tpu.memory_space<semaphore_mem>>) attributes {dimension_semantics = [#tpu.dimension_semantics<core_parallel>, #tpu.dimension_semantics<subcore_parallel>], iteration_bounds = array<i64: 2, 16>, scalar_prefetch = 0 : i64, scratch_operands = 8 : i64, tpu.core_type = #tpu.core_type<sc_vector_subcore>, window_params = [{transform_indices = #map}, {transform_indices = #map1}, {transform_indices = #map}]} {
    %mul3A = arith.constant 2 : i32
    %mul3A_0 = arith.muli %arg1, %mul3A : i32
    %add3A = arith.addi %mul3A_0, %arg0 : i32
    %mul3A_1 = arith.constant 25600 : i32
    %mul3A_2 = arith.muli %add3A, %mul3A_1 : i32
    "tpu.region"() ({
      %run_scoped3A = tpu.sem_alloc : memref<!tpu.dma_semaphore, #tpu.memory_space<semaphore_mem>>
      %dma_start3A_575 = tpu.memref_slice %arg3[%mul3A_2] : memref<819200xi32, #tpu.memory_space<hbm>> -> memref<25600xi32, #tpu.memory_space<hbm>>
      %dma_start3A_576 = tpu.memref_slice %arg3[%mul3A_2] : memref<819200xi32, #tpu.memory_space<hbm>> -> memref<25600xi32, #tpu.memory_space<hbm>>
      tpu.enqueue_dma source(%dma_start3A_576 : memref<25600xi32, #tpu.memory_space<hbm>>) target(%arg5 : memref<25600xi32, #tpu.memory_space<vmem>>) target_semaphore(%run_scoped3A : memref<!tpu.dma_semaphore, #tpu.memory_space<semaphore_mem>>)
      %dma_wait3A_577 = tpu.memref_slice %arg3[%mul3A_2] : memref<819200xi32, #tpu.memory_space<hbm>> -> memref<25600xi32, #tpu.memory_space<hbm>>
      %dma_wait3A_578 = tpu.memref_slice %arg3[%mul3A_2] : memref<819200xi32, #tpu.memory_space<hbm>> -> memref<25600xi32, #tpu.memory_space<hbm>>
      tpu.wait_dma2 semaphore(%run_scoped3A : memref<!tpu.dma_semaphore, #tpu.memory_space<semaphore_mem>>) src(%dma_wait3A_578 : memref<25600xi32, #tpu.memory_space<hbm>>) dst(%arg5 : memref<25600xi32, #tpu.memory_space<vmem>>)
      tpu.yield
    }) : () -> ()
    %dma_start3A = arith.constant 0 : i32
    %dma_start3A_3 = arith.constant 0 : i32
    %dma_start3A_4 = arith.constant 0 : i32
    %dma_start3A_5 = tpu.memref_slice %arg6[%dma_start3A, %dma_start3A_3, %dma_start3A_4] : memref<3x512x64xf32, #tpu.memory_space<vmem>> -> memref<1x128x64xf32, #tpu.memory_space<vmem>>
    %dma_start3A_6 = tpu.memref_squeeze %dma_start3A_5 : memref<1x128x64xf32, #tpu.memory_space<vmem>> -> memref<128x64xf32, #tpu.memory_space<vmem>>
    %dma_start3A_7 = arith.constant 0 : i32
    %dma_start3A_8 = tpu.memref_slice %arg5[%dma_start3A_7] : memref<25600xi32, #tpu.memory_space<vmem>> -> memref<128xi32, #tpu.memory_space<vmem>>
    %dma_start3A_9 = arith.constant 0 : i32
    %dma_start3A_10 = arith.constant 0 : i32
    %dma_start3A_11 = tpu.memref_slice %arg2[%dma_start3A_9, %dma_start3A_10] : memref<1000000x64xf32, #tpu.memory_space<hbm>> -> memref<1000000x64xf32, #tpu.memory_space<hbm>>
    tpu.enqueue_indirect_dma source(%dma_start3A_11 : memref<1000000x64xf32, #tpu.memory_space<hbm>>) target(%dma_start3A_6 : memref<128x64xf32, #tpu.memory_space<vmem>>) offsets(%dma_start3A_8 : memref<128xi32, #tpu.memory_space<vmem>>) semaphore(%arg7 : memref<!tpu.dma_semaphore, #tpu.memory_space<semaphore_mem>>)
    %dma_start3A_12 = arith.constant 0 : i32
    %dma_start3A_13 = arith.constant 128 : i32
    %dma_start3A_14 = arith.constant 0 : i32
    %dma_start3A_15 = tpu.memref_slice %arg6[%dma_start3A_12, %dma_start3A_13, %dma_start3A_14] : memref<3x512x64xf32, #tpu.memory_space<vmem>> -> memref<1x128x64xf32, #tpu.memory_space<vmem>>
    %dma_start3A_16 = tpu.memref_squeeze %dma_start3A_15 : memref<1x128x64xf32, #tpu.memory_space<vmem>> -> memref<128x64xf32, #tpu.memory_space<vmem>>
    %dma_start3A_17 = arith.constant 128 : i32
    %dma_start3A_18 = tpu.memref_slice %arg5[%dma_start3A_17] : memref<25600xi32, #tpu.memory_space<vmem>> -> memref<128xi32, #tpu.memory_space<vmem>>
    %dma_start3A_19 = arith.constant 0 : i32
    %dma_start3A_20 = arith.constant 0 : i32
    %dma_start3A_21 = tpu.memref_slice %arg2[%dma_start3A_19, %dma_start3A_20] : memref<1000000x64xf32, #tpu.memory_space<hbm>> -> memref<1000000x64xf32, #tpu.memory_space<hbm>>
    tpu.enqueue_indirect_dma source(%dma_start3A_21 : memref<1000000x64xf32, #tpu.memory_space<hbm>>) target(%dma_start3A_16 : memref<128x64xf32, #tpu.memory_space<vmem>>) offsets(%dma_start3A_18 : memref<128xi32, #tpu.memory_space<vmem>>) semaphore(%arg7 : memref<!tpu.dma_semaphore, #tpu.memory_space<semaphore_mem>>)
    %dma_start3A_22 = arith.constant 0 : i32
    %dma_start3A_23 = arith.constant 256 : i32
    %dma_start3A_24 = arith.constant 0 : i32
    %dma_start3A_25 = tpu.memref_slice %arg6[%dma_start3A_22, %dma_start3A_23, %dma_start3A_24] : memref<3x512x64xf32, #tpu.memory_space<vmem>> -> memref<1x128x64xf32, #tpu.memory_space<vmem>>
    %dma_start3A_26 = tpu.memref_squeeze %dma_start3A_25 : memref<1x128x64xf32, #tpu.memory_space<vmem>> -> memref<128x64xf32, #tpu.memory_space<vmem>>
    %dma_start3A_27 = arith.constant 256 : i32
    %dma_start3A_28 = tpu.memref_slice %arg5[%dma_start3A_27] : memref<25600xi32, #tpu.memory_space<vmem>> -> memref<128xi32, #tpu.memory_space<vmem>>
    %dma_start3A_29 = arith.constant 0 : i32
    %dma_start3A_30 = arith.constant 0 : i32
    %dma_start3A_31 = tpu.memref_slice %arg2[%dma_start3A_29, %dma_start3A_30] : memref<1000000x64xf32, #tpu.memory_space<hbm>> -> memref<1000000x64xf32, #tpu.memory_space<hbm>>
    tpu.enqueue_indirect_dma source(%dma_start3A_31 : memref<1000000x64xf32, #tpu.memory_space<hbm>>) target(%dma_start3A_26 : memref<128x64xf32, #tpu.memory_space<vmem>>) offsets(%dma_start3A_28 : memref<128xi32, #tpu.memory_space<vmem>>) semaphore(%arg7 : memref<!tpu.dma_semaphore, #tpu.memory_space<semaphore_mem>>)
    %dma_start3A_32 = arith.constant 0 : i32
    %dma_start3A_33 = arith.constant 384 : i32
    %dma_start3A_34 = arith.constant 0 : i32
    %dma_start3A_35 = tpu.memref_slice %arg6[%dma_start3A_32, %dma_start3A_33, %dma_start3A_34] : memref<3x512x64xf32, #tpu.memory_space<vmem>> -> memref<1x128x64xf32, #tpu.memory_space<vmem>>
    %dma_start3A_36 = tpu.memref_squeeze %dma_start3A_35 : memref<1x128x64xf32, #tpu.memory_space<vmem>> -> memref<128x64xf32, #tpu.memory_space<vmem>>
    %dma_start3A_37 = arith.constant 384 : i32
    %dma_start3A_38 = tpu.memref_slice %arg5[%dma_start3A_37] : memref<25600xi32, #tpu.memory_space<vmem>> -> memref<128xi32, #tpu.memory_space<vmem>>
    %dma_start3A_39 = arith.constant 0 : i32
    %dma_start3A_40 = arith.constant 0 : i32
    %dma_start3A_41 = tpu.memref_slice %arg2[%dma_start3A_39, %dma_start3A_40] : memref<1000000x64xf32, #tpu.memory_space<hbm>> -> memref<1000000x64xf32, #tpu.memory_space<hbm>>
    tpu.enqueue_indirect_dma source(%dma_start3A_41 : memref<1000000x64xf32, #tpu.memory_space<hbm>>) target(%dma_start3A_36 : memref<128x64xf32, #tpu.memory_space<vmem>>) offsets(%dma_start3A_38 : memref<128xi32, #tpu.memory_space<vmem>>) semaphore(%arg7 : memref<!tpu.dma_semaphore, #tpu.memory_space<semaphore_mem>>)
    %dma_start3A_42 = arith.constant 1 : i32
    %dma_start3A_43 = arith.constant 0 : i32
    %dma_start3A_44 = arith.constant 0 : i32
    %dma_start3A_45 = tpu.memref_slice %arg6[%dma_start3A_42, %dma_start3A_43, %dma_start3A_44] : memref<3x512x64xf32, #tpu.memory_space<vmem>> -> memref<1x128x64xf32, #tpu.memory_space<vmem>>
    %dma_start3A_46 = tpu.memref_squeeze %dma_start3A_45 : memref<1x128x64xf32, #tpu.memory_space<vmem>> -> memref<128x64xf32, #tpu.memory_space<vmem>>
    %dma_start3A_47 = arith.constant 512 : i32
    %dma_start3A_48 = tpu.memref_slice %arg5[%dma_start3A_47] : memref<25600xi32, #tpu.memory_space<vmem>> -> memref<128xi32, #tpu.memory_space<vmem>>
    %dma_start3A_49 = arith.constant 0 : i32
    %dma_start3A_50 = arith.constant 0 : i32
    %dma_start3A_51 = tpu.memref_slice %arg2[%dma_start3A_49, %dma_start3A_50] : memref<1000000x64xf32, #tpu.memory_space<hbm>> -> memref<1000000x64xf32, #tpu.memory_space<hbm>>
    tpu.enqueue_indirect_dma source(%dma_start3A_51 : memref<1000000x64xf32, #tpu.memory_space<hbm>>) target(%dma_start3A_46 : memref<128x64xf32, #tpu.memory_space<vmem>>) offsets(%dma_start3A_48 : memref<128xi32, #tpu.memory_space<vmem>>) semaphore(%arg8 : memref<!tpu.dma_semaphore, #tpu.memory_space<semaphore_mem>>)
    %dma_start3A_52 = arith.constant 1 : i32
    %dma_start3A_53 = arith.constant 128 : i32
    %dma_start3A_54 = arith.constant 0 : i32
    %dma_start3A_55 = tpu.memref_slice %arg6[%dma_start3A_52, %dma_start3A_53, %dma_start3A_54] : memref<3x512x64xf32, #tpu.memory_space<vmem>> -> memref<1x128x64xf32, #tpu.memory_space<vmem>>
    %dma_start3A_56 = tpu.memref_squeeze %dma_start3A_55 : memref<1x128x64xf32, #tpu.memory_space<vmem>> -> memref<128x64xf32, #tpu.memory_space<vmem>>
    %dma_start3A_57 = arith.constant 640 : i32
    %dma_start3A_58 = tpu.memref_slice %arg5[%dma_start3A_57] : memref<25600xi32, #tpu.memory_space<vmem>> -> memref<128xi32, #tpu.memory_space<vmem>>
    %dma_start3A_59 = arith.constant 0 : i32
    %dma_start3A_60 = arith.constant 0 : i32
    %dma_start3A_61 = tpu.memref_slice %arg2[%dma_start3A_59, %dma_start3A_60] : memref<1000000x64xf32, #tpu.memory_space<hbm>> -> memref<1000000x64xf32, #tpu.memory_space<hbm>>
    tpu.enqueue_indirect_dma source(%dma_start3A_61 : memref<1000000x64xf32, #tpu.memory_space<hbm>>) target(%dma_start3A_56 : memref<128x64xf32, #tpu.memory_space<vmem>>) offsets(%dma_start3A_58 : memref<128xi32, #tpu.memory_space<vmem>>) semaphore(%arg8 : memref<!tpu.dma_semaphore, #tpu.memory_space<semaphore_mem>>)
    %dma_start3A_62 = arith.constant 1 : i32
    %dma_start3A_63 = arith.constant 256 : i32
    %dma_start3A_64 = arith.constant 0 : i32
    %dma_start3A_65 = tpu.memref_slice %arg6[%dma_start3A_62, %dma_start3A_63, %dma_start3A_64] : memref<3x512x64xf32, #tpu.memory_space<vmem>> -> memref<1x128x64xf32, #tpu.memory_space<vmem>>
    %dma_start3A_66 = tpu.memref_squeeze %dma_start3A_65 : memref<1x128x64xf32, #tpu.memory_space<vmem>> -> memref<128x64xf32, #tpu.memory_space<vmem>>
    %dma_start3A_67 = arith.constant 768 : i32
    %dma_start3A_68 = tpu.memref_slice %arg5[%dma_start3A_67] : memref<25600xi32, #tpu.memory_space<vmem>> -> memref<128xi32, #tpu.memory_space<vmem>>
    %dma_start3A_69 = arith.constant 0 : i32
    %dma_start3A_70 = arith.constant 0 : i32
    %dma_start3A_71 = tpu.memref_slice %arg2[%dma_start3A_69, %dma_start3A_70] : memref<1000000x64xf32, #tpu.memory_space<hbm>> -> memref<1000000x64xf32, #tpu.memory_space<hbm>>
    tpu.enqueue_indirect_dma source(%dma_start3A_71 : memref<1000000x64xf32, #tpu.memory_space<hbm>>) target(%dma_start3A_66 : memref<128x64xf32, #tpu.memory_space<vmem>>) offsets(%dma_start3A_68 : memref<128xi32, #tpu.memory_space<vmem>>) semaphore(%arg8 : memref<!tpu.dma_semaphore, #tpu.memory_space<semaphore_mem>>)
    %dma_start3A_72 = arith.constant 1 : i32
    %dma_start3A_73 = arith.constant 384 : i32
    %dma_start3A_74 = arith.constant 0 : i32
    %dma_start3A_75 = tpu.memref_slice %arg6[%dma_start3A_72, %dma_start3A_73, %dma_start3A_74] : memref<3x512x64xf32, #tpu.memory_space<vmem>> -> memref<1x128x64xf32, #tpu.memory_space<vmem>>
    %dma_start3A_76 = tpu.memref_squeeze %dma_start3A_75 : memref<1x128x64xf32, #tpu.memory_space<vmem>> -> memref<128x64xf32, #tpu.memory_space<vmem>>
    %dma_start3A_77 = arith.constant 896 : i32
    %dma_start3A_78 = tpu.memref_slice %arg5[%dma_start3A_77] : memref<25600xi32, #tpu.memory_space<vmem>> -> memref<128xi32, #tpu.memory_space<vmem>>
    %dma_start3A_79 = arith.constant 0 : i32
    %dma_start3A_80 = arith.constant 0 : i32
    %dma_start3A_81 = tpu.memref_slice %arg2[%dma_start3A_79, %dma_start3A_80] : memref<1000000x64xf32, #tpu.memory_space<hbm>> -> memref<1000000x64xf32, #tpu.memory_space<hbm>>
    tpu.enqueue_indirect_dma source(%dma_start3A_81 : memref<1000000x64xf32, #tpu.memory_space<hbm>>) target(%dma_start3A_76 : memref<128x64xf32, #tpu.memory_space<vmem>>) offsets(%dma_start3A_78 : memref<128xi32, #tpu.memory_space<vmem>>) semaphore(%arg8 : memref<!tpu.dma_semaphore, #tpu.memory_space<semaphore_mem>>)
    %dma_start3A_82 = arith.constant 2 : i32
    %dma_start3A_83 = arith.constant 0 : i32
    %dma_start3A_84 = arith.constant 0 : i32
    %dma_start3A_85 = tpu.memref_slice %arg6[%dma_start3A_82, %dma_start3A_83, %dma_start3A_84] : memref<3x512x64xf32, #tpu.memory_space<vmem>> -> memref<1x128x64xf32, #tpu.memory_space<vmem>>
    %dma_start3A_86 = tpu.memref_squeeze %dma_start3A_85 : memref<1x128x64xf32, #tpu.memory_space<vmem>> -> memref<128x64xf32, #tpu.memory_space<vmem>>
    %dma_start3A_87 = arith.constant 1024 : i32
    %dma_start3A_88 = tpu.memref_slice %arg5[%dma_start3A_87] : memref<25600xi32, #tpu.memory_space<vmem>> -> memref<128xi32, #tpu.memory_space<vmem>>
    %dma_start3A_89 = arith.constant 0 : i32
    %dma_start3A_90 = arith.constant 0 : i32
    %dma_start3A_91 = tpu.memref_slice %arg2[%dma_start3A_89, %dma_start3A_90] : memref<1000000x64xf32, #tpu.memory_space<hbm>> -> memref<1000000x64xf32, #tpu.memory_space<hbm>>
    tpu.enqueue_indirect_dma source(%dma_start3A_91 : memref<1000000x64xf32, #tpu.memory_space<hbm>>) target(%dma_start3A_86 : memref<128x64xf32, #tpu.memory_space<vmem>>) offsets(%dma_start3A_88 : memref<128xi32, #tpu.memory_space<vmem>>) semaphore(%arg9 : memref<!tpu.dma_semaphore, #tpu.memory_space<semaphore_mem>>)
    %dma_start3A_92 = arith.constant 2 : i32
    %dma_start3A_93 = arith.constant 128 : i32
    %dma_start3A_94 = arith.constant 0 : i32
    %dma_start3A_95 = tpu.memref_slice %arg6[%dma_start3A_92, %dma_start3A_93, %dma_start3A_94] : memref<3x512x64xf32, #tpu.memory_space<vmem>> -> memref<1x128x64xf32, #tpu.memory_space<vmem>>
    %dma_start3A_96 = tpu.memref_squeeze %dma_start3A_95 : memref<1x128x64xf32, #tpu.memory_space<vmem>> -> memref<128x64xf32, #tpu.memory_space<vmem>>
    %dma_start3A_97 = arith.constant 1152 : i32
    %dma_start3A_98 = tpu.memref_slice %arg5[%dma_start3A_97] : memref<25600xi32, #tpu.memory_space<vmem>> -> memref<128xi32, #tpu.memory_space<vmem>>
    %dma_start3A_99 = arith.constant 0 : i32
    %dma_start3A_100 = arith.constant 0 : i32
    %dma_start3A_101 = tpu.memref_slice %arg2[%dma_start3A_99, %dma_start3A_100] : memref<1000000x64xf32, #tpu.memory_space<hbm>> -> memref<1000000x64xf32, #tpu.memory_space<hbm>>
    tpu.enqueue_indirect_dma source(%dma_start3A_101 : memref<1000000x64xf32, #tpu.memory_space<hbm>>) target(%dma_start3A_96 : memref<128x64xf32, #tpu.memory_space<vmem>>) offsets(%dma_start3A_98 : memref<128xi32, #tpu.memory_space<vmem>>) semaphore(%arg9 : memref<!tpu.dma_semaphore, #tpu.memory_space<semaphore_mem>>)
    %dma_start3A_102 = arith.constant 2 : i32
    %dma_start3A_103 = arith.constant 256 : i32
    %dma_start3A_104 = arith.constant 0 : i32
    %dma_start3A_105 = tpu.memref_slice %arg6[%dma_start3A_102, %dma_start3A_103, %dma_start3A_104] : memref<3x512x64xf32, #tpu.memory_space<vmem>> -> memref<1x128x64xf32, #tpu.memory_space<vmem>>
    %dma_start3A_106 = tpu.memref_squeeze %dma_start3A_105 : memref<1x128x64xf32, #tpu.memory_space<vmem>> -> memref<128x64xf32, #tpu.memory_space<vmem>>
    %dma_start3A_107 = arith.constant 1280 : i32
    %dma_start3A_108 = tpu.memref_slice %arg5[%dma_start3A_107] : memref<25600xi32, #tpu.memory_space<vmem>> -> memref<128xi32, #tpu.memory_space<vmem>>
    %dma_start3A_109 = arith.constant 0 : i32
    %dma_start3A_110 = arith.constant 0 : i32
    %dma_start3A_111 = tpu.memref_slice %arg2[%dma_start3A_109, %dma_start3A_110] : memref<1000000x64xf32, #tpu.memory_space<hbm>> -> memref<1000000x64xf32, #tpu.memory_space<hbm>>
    tpu.enqueue_indirect_dma source(%dma_start3A_111 : memref<1000000x64xf32, #tpu.memory_space<hbm>>) target(%dma_start3A_106 : memref<128x64xf32, #tpu.memory_space<vmem>>) offsets(%dma_start3A_108 : memref<128xi32, #tpu.memory_space<vmem>>) semaphore(%arg9 : memref<!tpu.dma_semaphore, #tpu.memory_space<semaphore_mem>>)
    %dma_start3A_112 = arith.constant 2 : i32
    %dma_start3A_113 = arith.constant 384 : i32
    %dma_start3A_114 = arith.constant 0 : i32
    %dma_start3A_115 = tpu.memref_slice %arg6[%dma_start3A_112, %dma_start3A_113, %dma_start3A_114] : memref<3x512x64xf32, #tpu.memory_space<vmem>> -> memref<1x128x64xf32, #tpu.memory_space<vmem>>
    %dma_start3A_116 = tpu.memref_squeeze %dma_start3A_115 : memref<1x128x64xf32, #tpu.memory_space<vmem>> -> memref<128x64xf32, #tpu.memory_space<vmem>>
    %dma_start3A_117 = arith.constant 1408 : i32
    %dma_start3A_118 = tpu.memref_slice %arg5[%dma_start3A_117] : memref<25600xi32, #tpu.memory_space<vmem>> -> memref<128xi32, #tpu.memory_space<vmem>>
    %dma_start3A_119 = arith.constant 0 : i32
    %dma_start3A_120 = arith.constant 0 : i32
    %dma_start3A_121 = tpu.memref_slice %arg2[%dma_start3A_119, %dma_start3A_120] : memref<1000000x64xf32, #tpu.memory_space<hbm>> -> memref<1000000x64xf32, #tpu.memory_space<hbm>>
    tpu.enqueue_indirect_dma source(%dma_start3A_121 : memref<1000000x64xf32, #tpu.memory_space<hbm>>) target(%dma_start3A_116 : memref<128x64xf32, #tpu.memory_space<vmem>>) offsets(%dma_start3A_118 : memref<128xi32, #tpu.memory_space<vmem>>) semaphore(%arg9 : memref<!tpu.dma_semaphore, #tpu.memory_space<semaphore_mem>>)
    %dma_wait3A = arith.constant 0 : i32
    %dma_wait3A_122 = arith.constant 0 : i32
    %dma_wait3A_123 = arith.constant 0 : i32
    %dma_wait3A_124 = tpu.memref_slice %arg6[%dma_wait3A, %dma_wait3A_122, %dma_wait3A_123] : memref<3x512x64xf32, #tpu.memory_space<vmem>> -> memref<1x128x64xf32, #tpu.memory_space<vmem>>
    %dma_wait3A_125 = tpu.memref_squeeze %dma_wait3A_124 : memref<1x128x64xf32, #tpu.memory_space<vmem>> -> memref<128x64xf32, #tpu.memory_space<vmem>>
    %dma_wait3A_126 = arith.constant 0 : i32
    %dma_wait3A_127 = tpu.memref_slice %arg5[%dma_wait3A_126] : memref<25600xi32, #tpu.memory_space<vmem>> -> memref<128xi32, #tpu.memory_space<vmem>>
    %dma_wait3A_128 = arith.constant 0 : i32
    %dma_wait3A_129 = arith.constant 0 : i32
    %dma_wait3A_130 = tpu.memref_slice %arg2[%dma_wait3A_128, %dma_wait3A_129] : memref<1000000x64xf32, #tpu.memory_space<hbm>> -> memref<1000000x64xf32, #tpu.memory_space<hbm>>
    tpu.wait_indirect_dma semaphore(%arg7 : memref<!tpu.dma_semaphore, #tpu.memory_space<semaphore_mem>>) src(%dma_wait3A_130 : memref<1000000x64xf32, #tpu.memory_space<hbm>>) dst(%dma_wait3A_125 : memref<128x64xf32, #tpu.memory_space<vmem>>)
    %dma_wait3A_131 = arith.constant 0 : i32
    %dma_wait3A_132 = arith.constant 128 : i32
    %dma_wait3A_133 = arith.constant 0 : i32
    %dma_wait3A_134 = tpu.memref_slice %arg6[%dma_wait3A_131, %dma_wait3A_132, %dma_wait3A_133] : memref<3x512x64xf32, #tpu.memory_space<vmem>> -> memref<1x128x64xf32, #tpu.memory_space<vmem>>
    %dma_wait3A_135 = tpu.memref_squeeze %dma_wait3A_134 : memref<1x128x64xf32, #tpu.memory_space<vmem>> -> memref<128x64xf32, #tpu.memory_space<vmem>>
    %dma_wait3A_136 = arith.constant 128 : i32
    %dma_wait3A_137 = tpu.memref_slice %arg5[%dma_wait3A_136] : memref<25600xi32, #tpu.memory_space<vmem>> -> memref<128xi32, #tpu.memory_space<vmem>>
    %dma_wait3A_138 = arith.constant 0 : i32
    %dma_wait3A_139 = arith.constant 0 : i32
    %dma_wait3A_140 = tpu.memref_slice %arg2[%dma_wait3A_138, %dma_wait3A_139] : memref<1000000x64xf32, #tpu.memory_space<hbm>> -> memref<1000000x64xf32, #tpu.memory_space<hbm>>
    tpu.wait_indirect_dma semaphore(%arg7 : memref<!tpu.dma_semaphore, #tpu.memory_space<semaphore_mem>>) src(%dma_wait3A_140 : memref<1000000x64xf32, #tpu.memory_space<hbm>>) dst(%dma_wait3A_135 : memref<128x64xf32, #tpu.memory_space<vmem>>)
    %dma_wait3A_141 = arith.constant 0 : i32
    %dma_wait3A_142 = arith.constant 256 : i32
    %dma_wait3A_143 = arith.constant 0 : i32
    %dma_wait3A_144 = tpu.memref_slice %arg6[%dma_wait3A_141, %dma_wait3A_142, %dma_wait3A_143] : memref<3x512x64xf32, #tpu.memory_space<vmem>> -> memref<1x128x64xf32, #tpu.memory_space<vmem>>
    %dma_wait3A_145 = tpu.memref_squeeze %dma_wait3A_144 : memref<1x128x64xf32, #tpu.memory_space<vmem>> -> memref<128x64xf32, #tpu.memory_space<vmem>>
    %dma_wait3A_146 = arith.constant 256 : i32
    %dma_wait3A_147 = tpu.memref_slice %arg5[%dma_wait3A_146] : memref<25600xi32, #tpu.memory_space<vmem>> -> memref<128xi32, #tpu.memory_space<vmem>>
    %dma_wait3A_148 = arith.constant 0 : i32
    %dma_wait3A_149 = arith.constant 0 : i32
    %dma_wait3A_150 = tpu.memref_slice %arg2[%dma_wait3A_148, %dma_wait3A_149] : memref<1000000x64xf32, #tpu.memory_space<hbm>> -> memref<1000000x64xf32, #tpu.memory_space<hbm>>
    tpu.wait_indirect_dma semaphore(%arg7 : memref<!tpu.dma_semaphore, #tpu.memory_space<semaphore_mem>>) src(%dma_wait3A_150 : memref<1000000x64xf32, #tpu.memory_space<hbm>>) dst(%dma_wait3A_145 : memref<128x64xf32, #tpu.memory_space<vmem>>)
    %dma_wait3A_151 = arith.constant 0 : i32
    %dma_wait3A_152 = arith.constant 384 : i32
    %dma_wait3A_153 = arith.constant 0 : i32
    %dma_wait3A_154 = tpu.memref_slice %arg6[%dma_wait3A_151, %dma_wait3A_152, %dma_wait3A_153] : memref<3x512x64xf32, #tpu.memory_space<vmem>> -> memref<1x128x64xf32, #tpu.memory_space<vmem>>
    %dma_wait3A_155 = tpu.memref_squeeze %dma_wait3A_154 : memref<1x128x64xf32, #tpu.memory_space<vmem>> -> memref<128x64xf32, #tpu.memory_space<vmem>>
    %dma_wait3A_156 = arith.constant 384 : i32
    %dma_wait3A_157 = tpu.memref_slice %arg5[%dma_wait3A_156] : memref<25600xi32, #tpu.memory_space<vmem>> -> memref<128xi32, #tpu.memory_space<vmem>>
    %dma_wait3A_158 = arith.constant 0 : i32
    %dma_wait3A_159 = arith.constant 0 : i32
    %dma_wait3A_160 = tpu.memref_slice %arg2[%dma_wait3A_158, %dma_wait3A_159] : memref<1000000x64xf32, #tpu.memory_space<hbm>> -> memref<1000000x64xf32, #tpu.memory_space<hbm>>
    tpu.wait_indirect_dma semaphore(%arg7 : memref<!tpu.dma_semaphore, #tpu.memory_space<semaphore_mem>>) src(%dma_wait3A_160 : memref<1000000x64xf32, #tpu.memory_space<hbm>>) dst(%dma_wait3A_155 : memref<128x64xf32, #tpu.memory_space<vmem>>)
    %mul3A_161 = arith.constant 25600 : i32
    %mul3A_162 = arith.muli %add3A, %mul3A_161 : i32
    %add3A_163 = arith.constant 0 : i32
    %add3A_164 = arith.addi %mul3A_162, %add3A_163 : i32
    %dma_start3A_165 = arith.constant 0 : i32
    %dma_start3A_166 = arith.constant 0 : i32
    %dma_start3A_167 = arith.constant 0 : i32
    %dma_start3A_168 = tpu.memref_slice %arg6[%dma_start3A_165, %dma_start3A_166, %dma_start3A_167] : memref<3x512x64xf32, #tpu.memory_space<vmem>> -> memref<1x512x64xf32, #tpu.memory_space<vmem>>
    %dma_start3A_169 = tpu.memref_squeeze %dma_start3A_168 : memref<1x512x64xf32, #tpu.memory_space<vmem>> -> memref<512x64xf32, #tpu.memory_space<vmem>>
    %dma_start3A_170 = arith.constant 0 : i32
    %dma_start3A_171 = tpu.memref_slice %arg4[%add3A_164, %dma_start3A_170] : memref<819200x128xf32, #tpu.memory_space<hbm>> -> memref<512x64xf32, #tpu.memory_space<hbm>>
    %dma_start3A_172 = arith.constant 0 : i32
    %dma_start3A_173 = tpu.memref_slice %arg4[%add3A_164, %dma_start3A_172] : memref<819200x128xf32, #tpu.memory_space<hbm>> -> memref<512x64xf32, #tpu.memory_space<hbm>>
    %dma_start3A_174 = arith.constant 0 : i32
    %dma_start3A_175 = arith.constant 0 : i32
    %dma_start3A_176 = tpu.memref_slice %arg6[%dma_start3A_165, %dma_start3A_174, %dma_start3A_175] : memref<3x512x64xf32, #tpu.memory_space<vmem>> -> memref<1x512x64xf32, #tpu.memory_space<vmem>>
    %dma_start3A_177 = tpu.memref_squeeze %dma_start3A_176 : memref<1x512x64xf32, #tpu.memory_space<vmem>> -> memref<512x64xf32, #tpu.memory_space<vmem>>
    tpu.enqueue_dma source(%dma_start3A_177 : memref<512x64xf32, #tpu.memory_space<vmem>>) target(%dma_start3A_173 : memref<512x64xf32, #tpu.memory_space<hbm>>) target_semaphore(%arg10 : memref<!tpu.dma_semaphore, #tpu.memory_space<semaphore_mem>>)
    %dma_wait3A_178 = arith.constant 1 : i32
    %dma_wait3A_179 = arith.constant 0 : i32
    %dma_wait3A_180 = arith.constant 0 : i32
    %dma_wait3A_181 = tpu.memref_slice %arg6[%dma_wait3A_178, %dma_wait3A_179, %dma_wait3A_180] : memref<3x512x64xf32, #tpu.memory_space<vmem>> -> memref<1x128x64xf32, #tpu.memory_space<vmem>>
    %dma_wait3A_182 = tpu.memref_squeeze %dma_wait3A_181 : memref<1x128x64xf32, #tpu.memory_space<vmem>> -> memref<128x64xf32, #tpu.memory_space<vmem>>
    %dma_wait3A_183 = arith.constant 512 : i32
    %dma_wait3A_184 = tpu.memref_slice %arg5[%dma_wait3A_183] : memref<25600xi32, #tpu.memory_space<vmem>> -> memref<128xi32, #tpu.memory_space<vmem>>
    %dma_wait3A_185 = arith.constant 0 : i32
    %dma_wait3A_186 = arith.constant 0 : i32
    %dma_wait3A_187 = tpu.memref_slice %arg2[%dma_wait3A_185, %dma_wait3A_186] : memref<1000000x64xf32, #tpu.memory_space<hbm>> -> memref<1000000x64xf32, #tpu.memory_space<hbm>>
    tpu.wait_indirect_dma semaphore(%arg8 : memref<!tpu.dma_semaphore, #tpu.memory_space<semaphore_mem>>) src(%dma_wait3A_187 : memref<1000000x64xf32, #tpu.memory_space<hbm>>) dst(%dma_wait3A_182 : memref<128x64xf32, #tpu.memory_space<vmem>>)
    %dma_wait3A_188 = arith.constant 1 : i32
    %dma_wait3A_189 = arith.constant 128 : i32
    %dma_wait3A_190 = arith.constant 0 : i32
    %dma_wait3A_191 = tpu.memref_slice %arg6[%dma_wait3A_188, %dma_wait3A_189, %dma_wait3A_190] : memref<3x512x64xf32, #tpu.memory_space<vmem>> -> memref<1x128x64xf32, #tpu.memory_space<vmem>>
    %dma_wait3A_192 = tpu.memref_squeeze %dma_wait3A_191 : memref<1x128x64xf32, #tpu.memory_space<vmem>> -> memref<128x64xf32, #tpu.memory_space<vmem>>
    %dma_wait3A_193 = arith.constant 640 : i32
    %dma_wait3A_194 = tpu.memref_slice %arg5[%dma_wait3A_193] : memref<25600xi32, #tpu.memory_space<vmem>> -> memref<128xi32, #tpu.memory_space<vmem>>
    %dma_wait3A_195 = arith.constant 0 : i32
    %dma_wait3A_196 = arith.constant 0 : i32
    %dma_wait3A_197 = tpu.memref_slice %arg2[%dma_wait3A_195, %dma_wait3A_196] : memref<1000000x64xf32, #tpu.memory_space<hbm>> -> memref<1000000x64xf32, #tpu.memory_space<hbm>>
    tpu.wait_indirect_dma semaphore(%arg8 : memref<!tpu.dma_semaphore, #tpu.memory_space<semaphore_mem>>) src(%dma_wait3A_197 : memref<1000000x64xf32, #tpu.memory_space<hbm>>) dst(%dma_wait3A_192 : memref<128x64xf32, #tpu.memory_space<vmem>>)
    %dma_wait3A_198 = arith.constant 1 : i32
    %dma_wait3A_199 = arith.constant 256 : i32
    %dma_wait3A_200 = arith.constant 0 : i32
    %dma_wait3A_201 = tpu.memref_slice %arg6[%dma_wait3A_198, %dma_wait3A_199, %dma_wait3A_200] : memref<3x512x64xf32, #tpu.memory_space<vmem>> -> memref<1x128x64xf32, #tpu.memory_space<vmem>>
    %dma_wait3A_202 = tpu.memref_squeeze %dma_wait3A_201 : memref<1x128x64xf32, #tpu.memory_space<vmem>> -> memref<128x64xf32, #tpu.memory_space<vmem>>
    %dma_wait3A_203 = arith.constant 768 : i32
    %dma_wait3A_204 = tpu.memref_slice %arg5[%dma_wait3A_203] : memref<25600xi32, #tpu.memory_space<vmem>> -> memref<128xi32, #tpu.memory_space<vmem>>
    %dma_wait3A_205 = arith.constant 0 : i32
    %dma_wait3A_206 = arith.constant 0 : i32
    %dma_wait3A_207 = tpu.memref_slice %arg2[%dma_wait3A_205, %dma_wait3A_206] : memref<1000000x64xf32, #tpu.memory_space<hbm>> -> memref<1000000x64xf32, #tpu.memory_space<hbm>>
    tpu.wait_indirect_dma semaphore(%arg8 : memref<!tpu.dma_semaphore, #tpu.memory_space<semaphore_mem>>) src(%dma_wait3A_207 : memref<1000000x64xf32, #tpu.memory_space<hbm>>) dst(%dma_wait3A_202 : memref<128x64xf32, #tpu.memory_space<vmem>>)
    %dma_wait3A_208 = arith.constant 1 : i32
    %dma_wait3A_209 = arith.constant 384 : i32
    %dma_wait3A_210 = arith.constant 0 : i32
    %dma_wait3A_211 = tpu.memref_slice %arg6[%dma_wait3A_208, %dma_wait3A_209, %dma_wait3A_210] : memref<3x512x64xf32, #tpu.memory_space<vmem>> -> memref<1x128x64xf32, #tpu.memory_space<vmem>>
    %dma_wait3A_212 = tpu.memref_squeeze %dma_wait3A_211 : memref<1x128x64xf32, #tpu.memory_space<vmem>> -> memref<128x64xf32, #tpu.memory_space<vmem>>
    %dma_wait3A_213 = arith.constant 896 : i32
    %dma_wait3A_214 = tpu.memref_slice %arg5[%dma_wait3A_213] : memref<25600xi32, #tpu.memory_space<vmem>> -> memref<128xi32, #tpu.memory_space<vmem>>
    %dma_wait3A_215 = arith.constant 0 : i32
    %dma_wait3A_216 = arith.constant 0 : i32
    %dma_wait3A_217 = tpu.memref_slice %arg2[%dma_wait3A_215, %dma_wait3A_216] : memref<1000000x64xf32, #tpu.memory_space<hbm>> -> memref<1000000x64xf32, #tpu.memory_space<hbm>>
    tpu.wait_indirect_dma semaphore(%arg8 : memref<!tpu.dma_semaphore, #tpu.memory_space<semaphore_mem>>) src(%dma_wait3A_217 : memref<1000000x64xf32, #tpu.memory_space<hbm>>) dst(%dma_wait3A_212 : memref<128x64xf32, #tpu.memory_space<vmem>>)
    %mul3A_218 = arith.constant 25600 : i32
    %mul3A_219 = arith.muli %add3A, %mul3A_218 : i32
    %add3A_220 = arith.constant 512 : i32
    %add3A_221 = arith.addi %mul3A_219, %add3A_220 : i32
    %dma_start3A_222 = arith.constant 1 : i32
    %dma_start3A_223 = arith.constant 0 : i32
    %dma_start3A_224 = arith.constant 0 : i32
    %dma_start3A_225 = tpu.memref_slice %arg6[%dma_start3A_222, %dma_start3A_223, %dma_start3A_224] : memref<3x512x64xf32, #tpu.memory_space<vmem>> -> memref<1x512x64xf32, #tpu.memory_space<vmem>>
    %dma_start3A_226 = tpu.memref_squeeze %dma_start3A_225 : memref<1x512x64xf32, #tpu.memory_space<vmem>> -> memref<512x64xf32, #tpu.memory_space<vmem>>
    %dma_start3A_227 = arith.constant 0 : i32
    %dma_start3A_228 = tpu.memref_slice %arg4[%add3A_221, %dma_start3A_227] : memref<819200x128xf32, #tpu.memory_space<hbm>> -> memref<512x64xf32, #tpu.memory_space<hbm>>
    %dma_start3A_229 = arith.constant 0 : i32
    %dma_start3A_230 = tpu.memref_slice %arg4[%add3A_221, %dma_start3A_229] : memref<819200x128xf32, #tpu.memory_space<hbm>> -> memref<512x64xf32, #tpu.memory_space<hbm>>
    %dma_start3A_231 = arith.constant 0 : i32
    %dma_start3A_232 = arith.constant 0 : i32
    %dma_start3A_233 = tpu.memref_slice %arg6[%dma_start3A_222, %dma_start3A_231, %dma_start3A_232] : memref<3x512x64xf32, #tpu.memory_space<vmem>> -> memref<1x512x64xf32, #tpu.memory_space<vmem>>
    %dma_start3A_234 = tpu.memref_squeeze %dma_start3A_233 : memref<1x512x64xf32, #tpu.memory_space<vmem>> -> memref<512x64xf32, #tpu.memory_space<vmem>>
    tpu.enqueue_dma source(%dma_start3A_234 : memref<512x64xf32, #tpu.memory_space<vmem>>) target(%dma_start3A_230 : memref<512x64xf32, #tpu.memory_space<hbm>>) target_semaphore(%arg11 : memref<!tpu.dma_semaphore, #tpu.memory_space<semaphore_mem>>)
    %scan3A = arith.constant 0 : i32
    %scan3A_235 = arith.constant 15 : i32
    %scan3A_236 = arith.addi %scan3A, %scan3A_235 : i32
    %scan3A_237 = arith.constant 1 : i32
    scf.for %scan3A_575 = %scan3A to %scan3A_236 step %scan3A_237  : i32 {
      %mul3A_576 = arith.constant 1 : i32
      %mul3A_577 = arith.muli %scan3A_575, %mul3A_576 : i32
      %add3A_578 = arith.constant 0 : i32
      %add3A_579 = arith.addi %add3A_578, %mul3A_577 : i32
      %mul3A_580 = arith.constant 3 : i32
      %mul3A_581 = arith.muli %mul3A_580, %add3A_579 : i32
      %add3A_582 = arith.constant 2 : i32
      %add3A_583 = arith.addi %mul3A_581, %add3A_582 : i32
      %add3A_584 = arith.constant 0 : i32
      %add3A_585 = arith.addi %add3A_583, %add3A_584 : i32
      %sub3A = arith.constant 2 : i32
      %sub3A_586 = arith.subi %add3A_585, %sub3A : i32
      %mul3A_587 = arith.constant 25600 : i32
      %mul3A_588 = arith.muli %add3A, %mul3A_587 : i32
      %mul3A_589 = arith.constant 512 : i32
      %mul3A_590 = arith.muli %sub3A_586, %mul3A_589 : i32
      %add3A_591 = arith.addi %mul3A_588, %mul3A_590 : i32
      %dma_wait3A_592 = arith.constant 0 : i32
      %dma_wait3A_593 = arith.constant 0 : i32
      %dma_wait3A_594 = arith.constant 0 : i32
      %dma_wait3A_595 = tpu.memref_slice %arg6[%dma_wait3A_592, %dma_wait3A_593, %dma_wait3A_594] : memref<3x512x64xf32, #tpu.memory_space<vmem>> -> memref<1x512x64xf32, #tpu.memory_space<vmem>>
      %dma_wait3A_596 = tpu.memref_squeeze %dma_wait3A_595 : memref<1x512x64xf32, #tpu.memory_space<vmem>> -> memref<512x64xf32, #tpu.memory_space<vmem>>
      %dma_wait3A_597 = arith.constant 0 : i32
      %dma_wait3A_598 = tpu.memref_slice %arg4[%add3A_591, %dma_wait3A_597] : memref<819200x128xf32, #tpu.memory_space<hbm>> -> memref<512x64xf32, #tpu.memory_space<hbm>>
      %dma_wait3A_599 = arith.constant 0 : i32
      %dma_wait3A_600 = tpu.memref_slice %arg4[%add3A_591, %dma_wait3A_599] : memref<819200x128xf32, #tpu.memory_space<hbm>> -> memref<512x64xf32, #tpu.memory_space<hbm>>
      %dma_wait3A_601 = arith.constant 0 : i32
      %dma_wait3A_602 = arith.constant 0 : i32
      %dma_wait3A_603 = tpu.memref_slice %arg6[%dma_wait3A_592, %dma_wait3A_601, %dma_wait3A_602] : memref<3x512x64xf32, #tpu.memory_space<vmem>> -> memref<1x512x64xf32, #tpu.memory_space<vmem>>
      %dma_wait3A_604 = tpu.memref_squeeze %dma_wait3A_603 : memref<1x512x64xf32, #tpu.memory_space<vmem>> -> memref<512x64xf32, #tpu.memory_space<vmem>>
      tpu.wait_dma2 semaphore(%arg10 : memref<!tpu.dma_semaphore, #tpu.memory_space<semaphore_mem>>) src(%dma_wait3A_604 : memref<512x64xf32, #tpu.memory_space<vmem>>) dst(%dma_wait3A_600 : memref<512x64xf32, #tpu.memory_space<hbm>>)
      %add3A_605 = arith.constant 1 : i32
      %add3A_606 = arith.addi %add3A_585, %add3A_605 : i32
      %mul3A_607 = arith.constant 512 : i32
      %mul3A_608 = arith.muli %add3A_606, %mul3A_607 : i32
      %add3A_609 = arith.constant 0 : i32
      %add3A_610 = arith.addi %mul3A_608, %add3A_609 : i32
      %mul3A_611 = arith.constant 512 : i32
      %mul3A_612 = arith.muli %add3A_606, %mul3A_611 : i32
      %add3A_613 = arith.constant 128 : i32
      %add3A_614 = arith.addi %mul3A_612, %add3A_613 : i32
      %mul3A_615 = arith.constant 512 : i32
      %mul3A_616 = arith.muli %add3A_606, %mul3A_615 : i32
      %add3A_617 = arith.constant 256 : i32
      %add3A_618 = arith.addi %mul3A_616, %add3A_617 : i32
      %mul3A_619 = arith.constant 512 : i32
      %mul3A_620 = arith.muli %add3A_606, %mul3A_619 : i32
      %add3A_621 = arith.constant 384 : i32
      %add3A_622 = arith.addi %mul3A_620, %add3A_621 : i32
      %dma_start3A_623 = arith.constant 0 : i32
      %dma_start3A_624 = arith.constant 0 : i32
      %dma_start3A_625 = arith.constant 0 : i32
      %dma_start3A_626 = tpu.memref_slice %arg6[%dma_start3A_623, %dma_start3A_624, %dma_start3A_625] : memref<3x512x64xf32, #tpu.memory_space<vmem>> -> memref<1x128x64xf32, #tpu.memory_space<vmem>>
      %dma_start3A_627 = tpu.memref_squeeze %dma_start3A_626 : memref<1x128x64xf32, #tpu.memory_space<vmem>> -> memref<128x64xf32, #tpu.memory_space<vmem>>
      %dma_start3A_628 = tpu.memref_slice %arg5[%add3A_610] : memref<25600xi32, #tpu.memory_space<vmem>> -> memref<128xi32, #tpu.memory_space<vmem>>
      %dma_start3A_629 = arith.constant 0 : i32
      %dma_start3A_630 = arith.constant 0 : i32
      %dma_start3A_631 = tpu.memref_slice %arg2[%dma_start3A_629, %dma_start3A_630] : memref<1000000x64xf32, #tpu.memory_space<hbm>> -> memref<1000000x64xf32, #tpu.memory_space<hbm>>
      tpu.enqueue_indirect_dma source(%dma_start3A_631 : memref<1000000x64xf32, #tpu.memory_space<hbm>>) target(%dma_start3A_627 : memref<128x64xf32, #tpu.memory_space<vmem>>) offsets(%dma_start3A_628 : memref<128xi32, #tpu.memory_space<vmem>>) semaphore(%arg7 : memref<!tpu.dma_semaphore, #tpu.memory_space<semaphore_mem>>)
      %dma_start3A_632 = arith.constant 0 : i32
      %dma_start3A_633 = arith.constant 128 : i32
      %dma_start3A_634 = arith.constant 0 : i32
      %dma_start3A_635 = tpu.memref_slice %arg6[%dma_start3A_632, %dma_start3A_633, %dma_start3A_634] : memref<3x512x64xf32, #tpu.memory_space<vmem>> -> memref<1x128x64xf32, #tpu.memory_space<vmem>>
      %dma_start3A_636 = tpu.memref_squeeze %dma_start3A_635 : memref<1x128x64xf32, #tpu.memory_space<vmem>> -> memref<128x64xf32, #tpu.memory_space<vmem>>
      %dma_start3A_637 = tpu.memref_slice %arg5[%add3A_614] : memref<25600xi32, #tpu.memory_space<vmem>> -> memref<128xi32, #tpu.memory_space<vmem>>
      %dma_start3A_638 = arith.constant 0 : i32
      %dma_start3A_639 = arith.constant 0 : i32
      %dma_start3A_640 = tpu.memref_slice %arg2[%dma_start3A_638, %dma_start3A_639] : memref<1000000x64xf32, #tpu.memory_space<hbm>> -> memref<1000000x64xf32, #tpu.memory_space<hbm>>
      tpu.enqueue_indirect_dma source(%dma_start3A_640 : memref<1000000x64xf32, #tpu.memory_space<hbm>>) target(%dma_start3A_636 : memref<128x64xf32, #tpu.memory_space<vmem>>) offsets(%dma_start3A_637 : memref<128xi32, #tpu.memory_space<vmem>>) semaphore(%arg7 : memref<!tpu.dma_semaphore, #tpu.memory_space<semaphore_mem>>)
      %dma_start3A_641 = arith.constant 0 : i32
      %dma_start3A_642 = arith.constant 256 : i32
      %dma_start3A_643 = arith.constant 0 : i32
      %dma_start3A_644 = tpu.memref_slice %arg6[%dma_start3A_641, %dma_start3A_642, %dma_start3A_643] : memref<3x512x64xf32, #tpu.memory_space<vmem>> -> memref<1x128x64xf32, #tpu.memory_space<vmem>>
      %dma_start3A_645 = tpu.memref_squeeze %dma_start3A_644 : memref<1x128x64xf32, #tpu.memory_space<vmem>> -> memref<128x64xf32, #tpu.memory_space<vmem>>
      %dma_start3A_646 = tpu.memref_slice %arg5[%add3A_618] : memref<25600xi32, #tpu.memory_space<vmem>> -> memref<128xi32, #tpu.memory_space<vmem>>
      %dma_start3A_647 = arith.constant 0 : i32
      %dma_start3A_648 = arith.constant 0 : i32
      %dma_start3A_649 = tpu.memref_slice %arg2[%dma_start3A_647, %dma_start3A_648] : memref<1000000x64xf32, #tpu.memory_space<hbm>> -> memref<1000000x64xf32, #tpu.memory_space<hbm>>
      tpu.enqueue_indirect_dma source(%dma_start3A_649 : memref<1000000x64xf32, #tpu.memory_space<hbm>>) target(%dma_start3A_645 : memref<128x64xf32, #tpu.memory_space<vmem>>) offsets(%dma_start3A_646 : memref<128xi32, #tpu.memory_space<vmem>>) semaphore(%arg7 : memref<!tpu.dma_semaphore, #tpu.memory_space<semaphore_mem>>)
      %dma_start3A_650 = arith.constant 0 : i32
      %dma_start3A_651 = arith.constant 384 : i32
      %dma_start3A_652 = arith.constant 0 : i32
      %dma_start3A_653 = tpu.memref_slice %arg6[%dma_start3A_650, %dma_start3A_651, %dma_start3A_652] : memref<3x512x64xf32, #tpu.memory_space<vmem>> -> memref<1x128x64xf32, #tpu.memory_space<vmem>>
      %dma_start3A_654 = tpu.memref_squeeze %dma_start3A_653 : memref<1x128x64xf32, #tpu.memory_space<vmem>> -> memref<128x64xf32, #tpu.memory_space<vmem>>
      %dma_start3A_655 = tpu.memref_slice %arg5[%add3A_622] : memref<25600xi32, #tpu.memory_space<vmem>> -> memref<128xi32, #tpu.memory_space<vmem>>
      %dma_start3A_656 = arith.constant 0 : i32
      %dma_start3A_657 = arith.constant 0 : i32
      %dma_start3A_658 = tpu.memref_slice %arg2[%dma_start3A_656, %dma_start3A_657] : memref<1000000x64xf32, #tpu.memory_space<hbm>> -> memref<1000000x64xf32, #tpu.memory_space<hbm>>
      tpu.enqueue_indirect_dma source(%dma_start3A_658 : memref<1000000x64xf32, #tpu.memory_space<hbm>>) target(%dma_start3A_654 : memref<128x64xf32, #tpu.memory_space<vmem>>) offsets(%dma_start3A_655 : memref<128xi32, #tpu.memory_space<vmem>>) semaphore(%arg7 : memref<!tpu.dma_semaphore, #tpu.memory_space<semaphore_mem>>)
      %mul3A_659 = arith.constant 512 : i32
      %mul3A_660 = arith.muli %add3A_585, %mul3A_659 : i32
      %add3A_661 = arith.constant 0 : i32
      %add3A_662 = arith.addi %mul3A_660, %add3A_661 : i32
      %mul3A_663 = arith.constant 512 : i32
      %mul3A_664 = arith.muli %add3A_585, %mul3A_663 : i32
      %add3A_665 = arith.constant 128 : i32
      %add3A_666 = arith.addi %mul3A_664, %add3A_665 : i32
      %mul3A_667 = arith.constant 512 : i32
      %mul3A_668 = arith.muli %add3A_585, %mul3A_667 : i32
      %add3A_669 = arith.constant 256 : i32
      %add3A_670 = arith.addi %mul3A_668, %add3A_669 : i32
      %mul3A_671 = arith.constant 512 : i32
      %mul3A_672 = arith.muli %add3A_585, %mul3A_671 : i32
      %add3A_673 = arith.constant 384 : i32
      %add3A_674 = arith.addi %mul3A_672, %add3A_673 : i32
      %dma_wait3A_675 = arith.constant 2 : i32
      %dma_wait3A_676 = arith.constant 0 : i32
      %dma_wait3A_677 = arith.constant 0 : i32
      %dma_wait3A_678 = tpu.memref_slice %arg6[%dma_wait3A_675, %dma_wait3A_676, %dma_wait3A_677] : memref<3x512x64xf32, #tpu.memory_space<vmem>> -> memref<1x128x64xf32, #tpu.memory_space<vmem>>
      %dma_wait3A_679 = tpu.memref_squeeze %dma_wait3A_678 : memref<1x128x64xf32, #tpu.memory_space<vmem>> -> memref<128x64xf32, #tpu.memory_space<vmem>>
      %dma_wait3A_680 = tpu.memref_slice %arg5[%add3A_662] : memref<25600xi32, #tpu.memory_space<vmem>> -> memref<128xi32, #tpu.memory_space<vmem>>
      %dma_wait3A_681 = arith.constant 0 : i32
      %dma_wait3A_682 = arith.constant 0 : i32
      %dma_wait3A_683 = tpu.memref_slice %arg2[%dma_wait3A_681, %dma_wait3A_682] : memref<1000000x64xf32, #tpu.memory_space<hbm>> -> memref<1000000x64xf32, #tpu.memory_space<hbm>>
      tpu.wait_indirect_dma semaphore(%arg9 : memref<!tpu.dma_semaphore, #tpu.memory_space<semaphore_mem>>) src(%dma_wait3A_683 : memref<1000000x64xf32, #tpu.memory_space<hbm>>) dst(%dma_wait3A_679 : memref<128x64xf32, #tpu.memory_space<vmem>>)
      %dma_wait3A_684 = arith.constant 2 : i32
      %dma_wait3A_685 = arith.constant 128 : i32
      %dma_wait3A_686 = arith.constant 0 : i32
      %dma_wait3A_687 = tpu.memref_slice %arg6[%dma_wait3A_684, %dma_wait3A_685, %dma_wait3A_686] : memref<3x512x64xf32, #tpu.memory_space<vmem>> -> memref<1x128x64xf32, #tpu.memory_space<vmem>>
      %dma_wait3A_688 = tpu.memref_squeeze %dma_wait3A_687 : memref<1x128x64xf32, #tpu.memory_space<vmem>> -> memref<128x64xf32, #tpu.memory_space<vmem>>
      %dma_wait3A_689 = tpu.memref_slice %arg5[%add3A_666] : memref<25600xi32, #tpu.memory_space<vmem>> -> memref<128xi32, #tpu.memory_space<vmem>>
      %dma_wait3A_690 = arith.constant 0 : i32
      %dma_wait3A_691 = arith.constant 0 : i32
      %dma_wait3A_692 = tpu.memref_slice %arg2[%dma_wait3A_690, %dma_wait3A_691] : memref<1000000x64xf32, #tpu.memory_space<hbm>> -> memref<1000000x64xf32, #tpu.memory_space<hbm>>
      tpu.wait_indirect_dma semaphore(%arg9 : memref<!tpu.dma_semaphore, #tpu.memory_space<semaphore_mem>>) src(%dma_wait3A_692 : memref<1000000x64xf32, #tpu.memory_space<hbm>>) dst(%dma_wait3A_688 : memref<128x64xf32, #tpu.memory_space<vmem>>)
      %dma_wait3A_693 = arith.constant 2 : i32
      %dma_wait3A_694 = arith.constant 256 : i32
      %dma_wait3A_695 = arith.constant 0 : i32
      %dma_wait3A_696 = tpu.memref_slice %arg6[%dma_wait3A_693, %dma_wait3A_694, %dma_wait3A_695] : memref<3x512x64xf32, #tpu.memory_space<vmem>> -> memref<1x128x64xf32, #tpu.memory_space<vmem>>
      %dma_wait3A_697 = tpu.memref_squeeze %dma_wait3A_696 : memref<1x128x64xf32, #tpu.memory_space<vmem>> -> memref<128x64xf32, #tpu.memory_space<vmem>>
      %dma_wait3A_698 = tpu.memref_slice %arg5[%add3A_670] : memref<25600xi32, #tpu.memory_space<vmem>> -> memref<128xi32, #tpu.memory_space<vmem>>
      %dma_wait3A_699 = arith.constant 0 : i32
      %dma_wait3A_700 = arith.constant 0 : i32
      %dma_wait3A_701 = tpu.memref_slice %arg2[%dma_wait3A_699, %dma_wait3A_700] : memref<1000000x64xf32, #tpu.memory_space<hbm>> -> memref<1000000x64xf32, #tpu.memory_space<hbm>>
      tpu.wait_indirect_dma semaphore(%arg9 : memref<!tpu.dma_semaphore, #tpu.memory_space<semaphore_mem>>) src(%dma_wait3A_701 : memref<1000000x64xf32, #tpu.memory_space<hbm>>) dst(%dma_wait3A_697 : memref<128x64xf32, #tpu.memory_space<vmem>>)
      %dma_wait3A_702 = arith.constant 2 : i32
      %dma_wait3A_703 = arith.constant 384 : i32
      %dma_wait3A_704 = arith.constant 0 : i32
      %dma_wait3A_705 = tpu.memref_slice %arg6[%dma_wait3A_702, %dma_wait3A_703, %dma_wait3A_704] : memref<3x512x64xf32, #tpu.memory_space<vmem>> -> memref<1x128x64xf32, #tpu.memory_space<vmem>>
      %dma_wait3A_706 = tpu.memref_squeeze %dma_wait3A_705 : memref<1x128x64xf32, #tpu.memory_space<vmem>> -> memref<128x64xf32, #tpu.memory_space<vmem>>
      %dma_wait3A_707 = tpu.memref_slice %arg5[%add3A_674] : memref<25600xi32, #tpu.memory_space<vmem>> -> memref<128xi32, #tpu.memory_space<vmem>>
      %dma_wait3A_708 = arith.constant 0 : i32
      %dma_wait3A_709 = arith.constant 0 : i32
      %dma_wait3A_710 = tpu.memref_slice %arg2[%dma_wait3A_708, %dma_wait3A_709] : memref<1000000x64xf32, #tpu.memory_space<hbm>> -> memref<1000000x64xf32, #tpu.memory_space<hbm>>
      tpu.wait_indirect_dma semaphore(%arg9 : memref<!tpu.dma_semaphore, #tpu.memory_space<semaphore_mem>>) src(%dma_wait3A_710 : memref<1000000x64xf32, #tpu.memory_space<hbm>>) dst(%dma_wait3A_706 : memref<128x64xf32, #tpu.memory_space<vmem>>)
      %mul3A_711 = arith.constant 25600 : i32
      %mul3A_712 = arith.muli %add3A, %mul3A_711 : i32
      %mul3A_713 = arith.constant 512 : i32
      %mul3A_714 = arith.muli %add3A_585, %mul3A_713 : i32
      %add3A_715 = arith.addi %mul3A_712, %mul3A_714 : i32
      %dma_start3A_716 = arith.constant 2 : i32
      %dma_start3A_717 = arith.constant 0 : i32
      %dma_start3A_718 = arith.constant 0 : i32
      %dma_start3A_719 = tpu.memref_slice %arg6[%dma_start3A_716, %dma_start3A_717, %dma_start3A_718] : memref<3x512x64xf32, #tpu.memory_space<vmem>> -> memref<1x512x64xf32, #tpu.memory_space<vmem>>
      %dma_start3A_720 = tpu.memref_squeeze %dma_start3A_719 : memref<1x512x64xf32, #tpu.memory_space<vmem>> -> memref<512x64xf32, #tpu.memory_space<vmem>>
      %dma_start3A_721 = arith.constant 0 : i32
      %dma_start3A_722 = tpu.memref_slice %arg4[%add3A_715, %dma_start3A_721] : memref<819200x128xf32, #tpu.memory_space<hbm>> -> memref<512x64xf32, #tpu.memory_space<hbm>>
      %dma_start3A_723 = arith.constant 0 : i32
      %dma_start3A_724 = tpu.memref_slice %arg4[%add3A_715, %dma_start3A_723] : memref<819200x128xf32, #tpu.memory_space<hbm>> -> memref<512x64xf32, #tpu.memory_space<hbm>>
      %dma_start3A_725 = arith.constant 0 : i32
      %dma_start3A_726 = arith.constant 0 : i32
      %dma_start3A_727 = tpu.memref_slice %arg6[%dma_start3A_716, %dma_start3A_725, %dma_start3A_726] : memref<3x512x64xf32, #tpu.memory_space<vmem>> -> memref<1x512x64xf32, #tpu.memory_space<vmem>>
      %dma_start3A_728 = tpu.memref_squeeze %dma_start3A_727 : memref<1x512x64xf32, #tpu.memory_space<vmem>> -> memref<512x64xf32, #tpu.memory_space<vmem>>
      tpu.enqueue_dma source(%dma_start3A_728 : memref<512x64xf32, #tpu.memory_space<vmem>>) target(%dma_start3A_724 : memref<512x64xf32, #tpu.memory_space<hbm>>) target_semaphore(%arg12 : memref<!tpu.dma_semaphore, #tpu.memory_space<semaphore_mem>>)
      %mul3A_729 = arith.constant 3 : i32
      %mul3A_730 = arith.muli %mul3A_729, %add3A_579 : i32
      %add3A_731 = arith.constant 2 : i32
      %add3A_732 = arith.addi %mul3A_730, %add3A_731 : i32
      %add3A_733 = arith.constant 1 : i32
      %add3A_734 = arith.addi %add3A_732, %add3A_733 : i32
      %sub3A_735 = arith.constant 2 : i32
      %sub3A_736 = arith.subi %add3A_734, %sub3A_735 : i32
      %mul3A_737 = arith.constant 25600 : i32
      %mul3A_738 = arith.muli %add3A, %mul3A_737 : i32
      %mul3A_739 = arith.constant 512 : i32
      %mul3A_740 = arith.muli %sub3A_736, %mul3A_739 : i32
      %add3A_741 = arith.addi %mul3A_738, %mul3A_740 : i32
      %dma_wait3A_742 = arith.constant 1 : i32
      %dma_wait3A_743 = arith.constant 0 : i32
      %dma_wait3A_744 = arith.constant 0 : i32
      %dma_wait3A_745 = tpu.memref_slice %arg6[%dma_wait3A_742, %dma_wait3A_743, %dma_wait3A_744] : memref<3x512x64xf32, #tpu.memory_space<vmem>> -> memref<1x512x64xf32, #tpu.memory_space<vmem>>
      %dma_wait3A_746 = tpu.memref_squeeze %dma_wait3A_745 : memref<1x512x64xf32, #tpu.memory_space<vmem>> -> memref<512x64xf32, #tpu.memory_space<vmem>>
      %dma_wait3A_747 = arith.constant 0 : i32
      %dma_wait3A_748 = tpu.memref_slice %arg4[%add3A_741, %dma_wait3A_747] : memref<819200x128xf32, #tpu.memory_space<hbm>> -> memref<512x64xf32, #tpu.memory_space<hbm>>
      %dma_wait3A_749 = arith.constant 0 : i32
      %dma_wait3A_750 = tpu.memref_slice %arg4[%add3A_741, %dma_wait3A_749] : memref<819200x128xf32, #tpu.memory_space<hbm>> -> memref<512x64xf32, #tpu.memory_space<hbm>>
      %dma_wait3A_751 = arith.constant 0 : i32
      %dma_wait3A_752 = arith.constant 0 : i32
      %dma_wait3A_753 = tpu.memref_slice %arg6[%dma_wait3A_742, %dma_wait3A_751, %dma_wait3A_752] : memref<3x512x64xf32, #tpu.memory_space<vmem>> -> memref<1x512x64xf32, #tpu.memory_space<vmem>>
      %dma_wait3A_754 = tpu.memref_squeeze %dma_wait3A_753 : memref<1x512x64xf32, #tpu.memory_space<vmem>> -> memref<512x64xf32, #tpu.memory_space<vmem>>
      tpu.wait_dma2 semaphore(%arg11 : memref<!tpu.dma_semaphore, #tpu.memory_space<semaphore_mem>>) src(%dma_wait3A_754 : memref<512x64xf32, #tpu.memory_space<vmem>>) dst(%dma_wait3A_750 : memref<512x64xf32, #tpu.memory_space<hbm>>)
      %add3A_755 = arith.constant 1 : i32
      %add3A_756 = arith.addi %add3A_734, %add3A_755 : i32
      %mul3A_757 = arith.constant 512 : i32
      %mul3A_758 = arith.muli %add3A_756, %mul3A_757 : i32
      %add3A_759 = arith.constant 0 : i32
      %add3A_760 = arith.addi %mul3A_758, %add3A_759 : i32
      %mul3A_761 = arith.constant 512 : i32
      %mul3A_762 = arith.muli %add3A_756, %mul3A_761 : i32
      %add3A_763 = arith.constant 128 : i32
      %add3A_764 = arith.addi %mul3A_762, %add3A_763 : i32
      %mul3A_765 = arith.constant 512 : i32
      %mul3A_766 = arith.muli %add3A_756, %mul3A_765 : i32
      %add3A_767 = arith.constant 256 : i32
      %add3A_768 = arith.addi %mul3A_766, %add3A_767 : i32
      %mul3A_769 = arith.constant 512 : i32
      %mul3A_770 = arith.muli %add3A_756, %mul3A_769 : i32
      %add3A_771 = arith.constant 384 : i32
      %add3A_772 = arith.addi %mul3A_770, %add3A_771 : i32
      %dma_start3A_773 = arith.constant 1 : i32
      %dma_start3A_774 = arith.constant 0 : i32
      %dma_start3A_775 = arith.constant 0 : i32
      %dma_start3A_776 = tpu.memref_slice %arg6[%dma_start3A_773, %dma_start3A_774, %dma_start3A_775] : memref<3x512x64xf32, #tpu.memory_space<vmem>> -> memref<1x128x64xf32, #tpu.memory_space<vmem>>
      %dma_start3A_777 = tpu.memref_squeeze %dma_start3A_776 : memref<1x128x64xf32, #tpu.memory_space<vmem>> -> memref<128x64xf32, #tpu.memory_space<vmem>>
      %dma_start3A_778 = tpu.memref_slice %arg5[%add3A_760] : memref<25600xi32, #tpu.memory_space<vmem>> -> memref<128xi32, #tpu.memory_space<vmem>>
      %dma_start3A_779 = arith.constant 0 : i32
      %dma_start3A_780 = arith.constant 0 : i32
      %dma_start3A_781 = tpu.memref_slice %arg2[%dma_start3A_779, %dma_start3A_780] : memref<1000000x64xf32, #tpu.memory_space<hbm>> -> memref<1000000x64xf32, #tpu.memory_space<hbm>>
      tpu.enqueue_indirect_dma source(%dma_start3A_781 : memref<1000000x64xf32, #tpu.memory_space<hbm>>) target(%dma_start3A_777 : memref<128x64xf32, #tpu.memory_space<vmem>>) offsets(%dma_start3A_778 : memref<128xi32, #tpu.memory_space<vmem>>) semaphore(%arg8 : memref<!tpu.dma_semaphore, #tpu.memory_space<semaphore_mem>>)
      %dma_start3A_782 = arith.constant 1 : i32
      %dma_start3A_783 = arith.constant 128 : i32
      %dma_start3A_784 = arith.constant 0 : i32
      %dma_start3A_785 = tpu.memref_slice %arg6[%dma_start3A_782, %dma_start3A_783, %dma_start3A_784] : memref<3x512x64xf32, #tpu.memory_space<vmem>> -> memref<1x128x64xf32, #tpu.memory_space<vmem>>
      %dma_start3A_786 = tpu.memref_squeeze %dma_start3A_785 : memref<1x128x64xf32, #tpu.memory_space<vmem>> -> memref<128x64xf32, #tpu.memory_space<vmem>>
      %dma_start3A_787 = tpu.memref_slice %arg5[%add3A_764] : memref<25600xi32, #tpu.memory_space<vmem>> -> memref<128xi32, #tpu.memory_space<vmem>>
      %dma_start3A_788 = arith.constant 0 : i32
      %dma_start3A_789 = arith.constant 0 : i32
      %dma_start3A_790 = tpu.memref_slice %arg2[%dma_start3A_788, %dma_start3A_789] : memref<1000000x64xf32, #tpu.memory_space<hbm>> -> memref<1000000x64xf32, #tpu.memory_space<hbm>>
      tpu.enqueue_indirect_dma source(%dma_start3A_790 : memref<1000000x64xf32, #tpu.memory_space<hbm>>) target(%dma_start3A_786 : memref<128x64xf32, #tpu.memory_space<vmem>>) offsets(%dma_start3A_787 : memref<128xi32, #tpu.memory_space<vmem>>) semaphore(%arg8 : memref<!tpu.dma_semaphore, #tpu.memory_space<semaphore_mem>>)
      %dma_start3A_791 = arith.constant 1 : i32
      %dma_start3A_792 = arith.constant 256 : i32
      %dma_start3A_793 = arith.constant 0 : i32
      %dma_start3A_794 = tpu.memref_slice %arg6[%dma_start3A_791, %dma_start3A_792, %dma_start3A_793] : memref<3x512x64xf32, #tpu.memory_space<vmem>> -> memref<1x128x64xf32, #tpu.memory_space<vmem>>
      %dma_start3A_795 = tpu.memref_squeeze %dma_start3A_794 : memref<1x128x64xf32, #tpu.memory_space<vmem>> -> memref<128x64xf32, #tpu.memory_space<vmem>>
      %dma_start3A_796 = tpu.memref_slice %arg5[%add3A_768] : memref<25600xi32, #tpu.memory_space<vmem>> -> memref<128xi32, #tpu.memory_space<vmem>>
      %dma_start3A_797 = arith.constant 0 : i32
      %dma_start3A_798 = arith.constant 0 : i32
      %dma_start3A_799 = tpu.memref_slice %arg2[%dma_start3A_797, %dma_start3A_798] : memref<1000000x64xf32, #tpu.memory_space<hbm>> -> memref<1000000x64xf32, #tpu.memory_space<hbm>>
      tpu.enqueue_indirect_dma source(%dma_start3A_799 : memref<1000000x64xf32, #tpu.memory_space<hbm>>) target(%dma_start3A_795 : memref<128x64xf32, #tpu.memory_space<vmem>>) offsets(%dma_start3A_796 : memref<128xi32, #tpu.memory_space<vmem>>) semaphore(%arg8 : memref<!tpu.dma_semaphore, #tpu.memory_space<semaphore_mem>>)
      %dma_start3A_800 = arith.constant 1 : i32
      %dma_start3A_801 = arith.constant 384 : i32
      %dma_start3A_802 = arith.constant 0 : i32
      %dma_start3A_803 = tpu.memref_slice %arg6[%dma_start3A_800, %dma_start3A_801, %dma_start3A_802] : memref<3x512x64xf32, #tpu.memory_space<vmem>> -> memref<1x128x64xf32, #tpu.memory_space<vmem>>
      %dma_start3A_804 = tpu.memref_squeeze %dma_start3A_803 : memref<1x128x64xf32, #tpu.memory_space<vmem>> -> memref<128x64xf32, #tpu.memory_space<vmem>>
      %dma_start3A_805 = tpu.memref_slice %arg5[%add3A_772] : memref<25600xi32, #tpu.memory_space<vmem>> -> memref<128xi32, #tpu.memory_space<vmem>>
      %dma_start3A_806 = arith.constant 0 : i32
      %dma_start3A_807 = arith.constant 0 : i32
      %dma_start3A_808 = tpu.memref_slice %arg2[%dma_start3A_806, %dma_start3A_807] : memref<1000000x64xf32, #tpu.memory_space<hbm>> -> memref<1000000x64xf32, #tpu.memory_space<hbm>>
      tpu.enqueue_indirect_dma source(%dma_start3A_808 : memref<1000000x64xf32, #tpu.memory_space<hbm>>) target(%dma_start3A_804 : memref<128x64xf32, #tpu.memory_space<vmem>>) offsets(%dma_start3A_805 : memref<128xi32, #tpu.memory_space<vmem>>) semaphore(%arg8 : memref<!tpu.dma_semaphore, #tpu.memory_space<semaphore_mem>>)
      %mul3A_809 = arith.constant 512 : i32
      %mul3A_810 = arith.muli %add3A_734, %mul3A_809 : i32
      %add3A_811 = arith.constant 0 : i32
      %add3A_812 = arith.addi %mul3A_810, %add3A_811 : i32
      %mul3A_813 = arith.constant 512 : i32
      %mul3A_814 = arith.muli %add3A_734, %mul3A_813 : i32
      %add3A_815 = arith.constant 128 : i32
      %add3A_816 = arith.addi %mul3A_814, %add3A_815 : i32
      %mul3A_817 = arith.constant 512 : i32
      %mul3A_818 = arith.muli %add3A_734, %mul3A_817 : i32
      %add3A_819 = arith.constant 256 : i32
      %add3A_820 = arith.addi %mul3A_818, %add3A_819 : i32
      %mul3A_821 = arith.constant 512 : i32
      %mul3A_822 = arith.muli %add3A_734, %mul3A_821 : i32
      %add3A_823 = arith.constant 384 : i32
      %add3A_824 = arith.addi %mul3A_822, %add3A_823 : i32
      %dma_wait3A_825 = arith.constant 0 : i32
      %dma_wait3A_826 = arith.constant 0 : i32
      %dma_wait3A_827 = arith.constant 0 : i32
      %dma_wait3A_828 = tpu.memref_slice %arg6[%dma_wait3A_825, %dma_wait3A_826, %dma_wait3A_827] : memref<3x512x64xf32, #tpu.memory_space<vmem>> -> memref<1x128x64xf32, #tpu.memory_space<vmem>>
      %dma_wait3A_829 = tpu.memref_squeeze %dma_wait3A_828 : memref<1x128x64xf32, #tpu.memory_space<vmem>> -> memref<128x64xf32, #tpu.memory_space<vmem>>
      %dma_wait3A_830 = tpu.memref_slice %arg5[%add3A_812] : memref<25600xi32, #tpu.memory_space<vmem>> -> memref<128xi32, #tpu.memory_space<vmem>>
      %dma_wait3A_831 = arith.constant 0 : i32
      %dma_wait3A_832 = arith.constant 0 : i32
      %dma_wait3A_833 = tpu.memref_slice %arg2[%dma_wait3A_831, %dma_wait3A_832] : memref<1000000x64xf32, #tpu.memory_space<hbm>> -> memref<1000000x64xf32, #tpu.memory_space<hbm>>
      tpu.wait_indirect_dma semaphore(%arg7 : memref<!tpu.dma_semaphore, #tpu.memory_space<semaphore_mem>>) src(%dma_wait3A_833 : memref<1000000x64xf32, #tpu.memory_space<hbm>>) dst(%dma_wait3A_829 : memref<128x64xf32, #tpu.memory_space<vmem>>)
      %dma_wait3A_834 = arith.constant 0 : i32
      %dma_wait3A_835 = arith.constant 128 : i32
      %dma_wait3A_836 = arith.constant 0 : i32
      %dma_wait3A_837 = tpu.memref_slice %arg6[%dma_wait3A_834, %dma_wait3A_835, %dma_wait3A_836] : memref<3x512x64xf32, #tpu.memory_space<vmem>> -> memref<1x128x64xf32, #tpu.memory_space<vmem>>
      %dma_wait3A_838 = tpu.memref_squeeze %dma_wait3A_837 : memref<1x128x64xf32, #tpu.memory_space<vmem>> -> memref<128x64xf32, #tpu.memory_space<vmem>>
      %dma_wait3A_839 = tpu.memref_slice %arg5[%add3A_816] : memref<25600xi32, #tpu.memory_space<vmem>> -> memref<128xi32, #tpu.memory_space<vmem>>
      %dma_wait3A_840 = arith.constant 0 : i32
      %dma_wait3A_841 = arith.constant 0 : i32
      %dma_wait3A_842 = tpu.memref_slice %arg2[%dma_wait3A_840, %dma_wait3A_841] : memref<1000000x64xf32, #tpu.memory_space<hbm>> -> memref<1000000x64xf32, #tpu.memory_space<hbm>>
      tpu.wait_indirect_dma semaphore(%arg7 : memref<!tpu.dma_semaphore, #tpu.memory_space<semaphore_mem>>) src(%dma_wait3A_842 : memref<1000000x64xf32, #tpu.memory_space<hbm>>) dst(%dma_wait3A_838 : memref<128x64xf32, #tpu.memory_space<vmem>>)
      %dma_wait3A_843 = arith.constant 0 : i32
      %dma_wait3A_844 = arith.constant 256 : i32
      %dma_wait3A_845 = arith.constant 0 : i32
      %dma_wait3A_846 = tpu.memref_slice %arg6[%dma_wait3A_843, %dma_wait3A_844, %dma_wait3A_845] : memref<3x512x64xf32, #tpu.memory_space<vmem>> -> memref<1x128x64xf32, #tpu.memory_space<vmem>>
      %dma_wait3A_847 = tpu.memref_squeeze %dma_wait3A_846 : memref<1x128x64xf32, #tpu.memory_space<vmem>> -> memref<128x64xf32, #tpu.memory_space<vmem>>
      %dma_wait3A_848 = tpu.memref_slice %arg5[%add3A_820] : memref<25600xi32, #tpu.memory_space<vmem>> -> memref<128xi32, #tpu.memory_space<vmem>>
      %dma_wait3A_849 = arith.constant 0 : i32
      %dma_wait3A_850 = arith.constant 0 : i32
      %dma_wait3A_851 = tpu.memref_slice %arg2[%dma_wait3A_849, %dma_wait3A_850] : memref<1000000x64xf32, #tpu.memory_space<hbm>> -> memref<1000000x64xf32, #tpu.memory_space<hbm>>
      tpu.wait_indirect_dma semaphore(%arg7 : memref<!tpu.dma_semaphore, #tpu.memory_space<semaphore_mem>>) src(%dma_wait3A_851 : memref<1000000x64xf32, #tpu.memory_space<hbm>>) dst(%dma_wait3A_847 : memref<128x64xf32, #tpu.memory_space<vmem>>)
      %dma_wait3A_852 = arith.constant 0 : i32
      %dma_wait3A_853 = arith.constant 384 : i32
      %dma_wait3A_854 = arith.constant 0 : i32
      %dma_wait3A_855 = tpu.memref_slice %arg6[%dma_wait3A_852, %dma_wait3A_853, %dma_wait3A_854] : memref<3x512x64xf32, #tpu.memory_space<vmem>> -> memref<1x128x64xf32, #tpu.memory_space<vmem>>
      %dma_wait3A_856 = tpu.memref_squeeze %dma_wait3A_855 : memref<1x128x64xf32, #tpu.memory_space<vmem>> -> memref<128x64xf32, #tpu.memory_space<vmem>>
      %dma_wait3A_857 = tpu.memref_slice %arg5[%add3A_824] : memref<25600xi32, #tpu.memory_space<vmem>> -> memref<128xi32, #tpu.memory_space<vmem>>
      %dma_wait3A_858 = arith.constant 0 : i32
      %dma_wait3A_859 = arith.constant 0 : i32
      %dma_wait3A_860 = tpu.memref_slice %arg2[%dma_wait3A_858, %dma_wait3A_859] : memref<1000000x64xf32, #tpu.memory_space<hbm>> -> memref<1000000x64xf32, #tpu.memory_space<hbm>>
      tpu.wait_indirect_dma semaphore(%arg7 : memref<!tpu.dma_semaphore, #tpu.memory_space<semaphore_mem>>) src(%dma_wait3A_860 : memref<1000000x64xf32, #tpu.memory_space<hbm>>) dst(%dma_wait3A_856 : memref<128x64xf32, #tpu.memory_space<vmem>>)
      %mul3A_861 = arith.constant 25600 : i32
      %mul3A_862 = arith.muli %add3A, %mul3A_861 : i32
      %mul3A_863 = arith.constant 512 : i32
      %mul3A_864 = arith.muli %add3A_734, %mul3A_863 : i32
      %add3A_865 = arith.addi %mul3A_862, %mul3A_864 : i32
      %dma_start3A_866 = arith.constant 0 : i32
      %dma_start3A_867 = arith.constant 0 : i32
      %dma_start3A_868 = arith.constant 0 : i32
      %dma_start3A_869 = tpu.memref_slice %arg6[%dma_start3A_866, %dma_start3A_867, %dma_start3A_868] : memref<3x512x64xf32, #tpu.memory_space<vmem>> -> memref<1x512x64xf32, #tpu.memory_space<vmem>>
      %dma_start3A_870 = tpu.memref_squeeze %dma_start3A_869 : memref<1x512x64xf32, #tpu.memory_space<vmem>> -> memref<512x64xf32, #tpu.memory_space<vmem>>
      %dma_start3A_871 = arith.constant 0 : i32
      %dma_start3A_872 = tpu.memref_slice %arg4[%add3A_865, %dma_start3A_871] : memref<819200x128xf32, #tpu.memory_space<hbm>> -> memref<512x64xf32, #tpu.memory_space<hbm>>
      %dma_start3A_873 = arith.constant 0 : i32
      %dma_start3A_874 = tpu.memref_slice %arg4[%add3A_865, %dma_start3A_873] : memref<819200x128xf32, #tpu.memory_space<hbm>> -> memref<512x64xf32, #tpu.memory_space<hbm>>
      %dma_start3A_875 = arith.constant 0 : i32
      %dma_start3A_876 = arith.constant 0 : i32
      %dma_start3A_877 = tpu.memref_slice %arg6[%dma_start3A_866, %dma_start3A_875, %dma_start3A_876] : memref<3x512x64xf32, #tpu.memory_space<vmem>> -> memref<1x512x64xf32, #tpu.memory_space<vmem>>
      %dma_start3A_878 = tpu.memref_squeeze %dma_start3A_877 : memref<1x512x64xf32, #tpu.memory_space<vmem>> -> memref<512x64xf32, #tpu.memory_space<vmem>>
      tpu.enqueue_dma source(%dma_start3A_878 : memref<512x64xf32, #tpu.memory_space<vmem>>) target(%dma_start3A_874 : memref<512x64xf32, #tpu.memory_space<hbm>>) target_semaphore(%arg10 : memref<!tpu.dma_semaphore, #tpu.memory_space<semaphore_mem>>)
      %mul3A_879 = arith.constant 3 : i32
      %mul3A_880 = arith.muli %mul3A_879, %add3A_579 : i32
      %add3A_881 = arith.constant 2 : i32
      %add3A_882 = arith.addi %mul3A_880, %add3A_881 : i32
      %add3A_883 = arith.constant 2 : i32
      %add3A_884 = arith.addi %add3A_882, %add3A_883 : i32
      %sub3A_885 = arith.constant 2 : i32
      %sub3A_886 = arith.subi %add3A_884, %sub3A_885 : i32
      %mul3A_887 = arith.constant 25600 : i32
      %mul3A_888 = arith.muli %add3A, %mul3A_887 : i32
      %mul3A_889 = arith.constant 512 : i32
      %mul3A_890 = arith.muli %sub3A_886, %mul3A_889 : i32
      %add3A_891 = arith.addi %mul3A_888, %mul3A_890 : i32
      %dma_wait3A_892 = arith.constant 2 : i32
      %dma_wait3A_893 = arith.constant 0 : i32
      %dma_wait3A_894 = arith.constant 0 : i32
      %dma_wait3A_895 = tpu.memref_slice %arg6[%dma_wait3A_892, %dma_wait3A_893, %dma_wait3A_894] : memref<3x512x64xf32, #tpu.memory_space<vmem>> -> memref<1x512x64xf32, #tpu.memory_space<vmem>>
      %dma_wait3A_896 = tpu.memref_squeeze %dma_wait3A_895 : memref<1x512x64xf32, #tpu.memory_space<vmem>> -> memref<512x64xf32, #tpu.memory_space<vmem>>
      %dma_wait3A_897 = arith.constant 0 : i32
      %dma_wait3A_898 = tpu.memref_slice %arg4[%add3A_891, %dma_wait3A_897] : memref<819200x128xf32, #tpu.memory_space<hbm>> -> memref<512x64xf32, #tpu.memory_space<hbm>>
      %dma_wait3A_899 = arith.constant 0 : i32
      %dma_wait3A_900 = tpu.memref_slice %arg4[%add3A_891, %dma_wait3A_899] : memref<819200x128xf32, #tpu.memory_space<hbm>> -> memref<512x64xf32, #tpu.memory_space<hbm>>
      %dma_wait3A_901 = arith.constant 0 : i32
      %dma_wait3A_902 = arith.constant 0 : i32
      %dma_wait3A_903 = tpu.memref_slice %arg6[%dma_wait3A_892, %dma_wait3A_901, %dma_wait3A_902] : memref<3x512x64xf32, #tpu.memory_space<vmem>> -> memref<1x512x64xf32, #tpu.memory_space<vmem>>
      %dma_wait3A_904 = tpu.memref_squeeze %dma_wait3A_903 : memref<1x512x64xf32, #tpu.memory_space<vmem>> -> memref<512x64xf32, #tpu.memory_space<vmem>>
      tpu.wait_dma2 semaphore(%arg12 : memref<!tpu.dma_semaphore, #tpu.memory_space<semaphore_mem>>) src(%dma_wait3A_904 : memref<512x64xf32, #tpu.memory_space<vmem>>) dst(%dma_wait3A_900 : memref<512x64xf32, #tpu.memory_space<hbm>>)
      %add3A_905 = arith.constant 1 : i32
      %add3A_906 = arith.addi %add3A_884, %add3A_905 : i32
      %mul3A_907 = arith.constant 512 : i32
      %mul3A_908 = arith.muli %add3A_906, %mul3A_907 : i32
      %add3A_909 = arith.constant 0 : i32
      %add3A_910 = arith.addi %mul3A_908, %add3A_909 : i32
      %mul3A_911 = arith.constant 512 : i32
      %mul3A_912 = arith.muli %add3A_906, %mul3A_911 : i32
      %add3A_913 = arith.constant 128 : i32
      %add3A_914 = arith.addi %mul3A_912, %add3A_913 : i32
      %mul3A_915 = arith.constant 512 : i32
      %mul3A_916 = arith.muli %add3A_906, %mul3A_915 : i32
      %add3A_917 = arith.constant 256 : i32
      %add3A_918 = arith.addi %mul3A_916, %add3A_917 : i32
      %mul3A_919 = arith.constant 512 : i32
      %mul3A_920 = arith.muli %add3A_906, %mul3A_919 : i32
      %add3A_921 = arith.constant 384 : i32
      %add3A_922 = arith.addi %mul3A_920, %add3A_921 : i32
      %dma_start3A_923 = arith.constant 2 : i32
      %dma_start3A_924 = arith.constant 0 : i32
      %dma_start3A_925 = arith.constant 0 : i32
      %dma_start3A_926 = tpu.memref_slice %arg6[%dma_start3A_923, %dma_start3A_924, %dma_start3A_925] : memref<3x512x64xf32, #tpu.memory_space<vmem>> -> memref<1x128x64xf32, #tpu.memory_space<vmem>>
      %dma_start3A_927 = tpu.memref_squeeze %dma_start3A_926 : memref<1x128x64xf32, #tpu.memory_space<vmem>> -> memref<128x64xf32, #tpu.memory_space<vmem>>
      %dma_start3A_928 = tpu.memref_slice %arg5[%add3A_910] : memref<25600xi32, #tpu.memory_space<vmem>> -> memref<128xi32, #tpu.memory_space<vmem>>
      %dma_start3A_929 = arith.constant 0 : i32
      %dma_start3A_930 = arith.constant 0 : i32
      %dma_start3A_931 = tpu.memref_slice %arg2[%dma_start3A_929, %dma_start3A_930] : memref<1000000x64xf32, #tpu.memory_space<hbm>> -> memref<1000000x64xf32, #tpu.memory_space<hbm>>
      tpu.enqueue_indirect_dma source(%dma_start3A_931 : memref<1000000x64xf32, #tpu.memory_space<hbm>>) target(%dma_start3A_927 : memref<128x64xf32, #tpu.memory_space<vmem>>) offsets(%dma_start3A_928 : memref<128xi32, #tpu.memory_space<vmem>>) semaphore(%arg9 : memref<!tpu.dma_semaphore, #tpu.memory_space<semaphore_mem>>)
      %dma_start3A_932 = arith.constant 2 : i32
      %dma_start3A_933 = arith.constant 128 : i32
      %dma_start3A_934 = arith.constant 0 : i32
      %dma_start3A_935 = tpu.memref_slice %arg6[%dma_start3A_932, %dma_start3A_933, %dma_start3A_934] : memref<3x512x64xf32, #tpu.memory_space<vmem>> -> memref<1x128x64xf32, #tpu.memory_space<vmem>>
      %dma_start3A_936 = tpu.memref_squeeze %dma_start3A_935 : memref<1x128x64xf32, #tpu.memory_space<vmem>> -> memref<128x64xf32, #tpu.memory_space<vmem>>
      %dma_start3A_937 = tpu.memref_slice %arg5[%add3A_914] : memref<25600xi32, #tpu.memory_space<vmem>> -> memref<128xi32, #tpu.memory_space<vmem>>
      %dma_start3A_938 = arith.constant 0 : i32
      %dma_start3A_939 = arith.constant 0 : i32
      %dma_start3A_940 = tpu.memref_slice %arg2[%dma_start3A_938, %dma_start3A_939] : memref<1000000x64xf32, #tpu.memory_space<hbm>> -> memref<1000000x64xf32, #tpu.memory_space<hbm>>
      tpu.enqueue_indirect_dma source(%dma_start3A_940 : memref<1000000x64xf32, #tpu.memory_space<hbm>>) target(%dma_start3A_936 : memref<128x64xf32, #tpu.memory_space<vmem>>) offsets(%dma_start3A_937 : memref<128xi32, #tpu.memory_space<vmem>>) semaphore(%arg9 : memref<!tpu.dma_semaphore, #tpu.memory_space<semaphore_mem>>)
      %dma_start3A_941 = arith.constant 2 : i32
      %dma_start3A_942 = arith.constant 256 : i32
      %dma_start3A_943 = arith.constant 0 : i32
      %dma_start3A_944 = tpu.memref_slice %arg6[%dma_start3A_941, %dma_start3A_942, %dma_start3A_943] : memref<3x512x64xf32, #tpu.memory_space<vmem>> -> memref<1x128x64xf32, #tpu.memory_space<vmem>>
      %dma_start3A_945 = tpu.memref_squeeze %dma_start3A_944 : memref<1x128x64xf32, #tpu.memory_space<vmem>> -> memref<128x64xf32, #tpu.memory_space<vmem>>
      %dma_start3A_946 = tpu.memref_slice %arg5[%add3A_918] : memref<25600xi32, #tpu.memory_space<vmem>> -> memref<128xi32, #tpu.memory_space<vmem>>
      %dma_start3A_947 = arith.constant 0 : i32
      %dma_start3A_948 = arith.constant 0 : i32
      %dma_start3A_949 = tpu.memref_slice %arg2[%dma_start3A_947, %dma_start3A_948] : memref<1000000x64xf32, #tpu.memory_space<hbm>> -> memref<1000000x64xf32, #tpu.memory_space<hbm>>
      tpu.enqueue_indirect_dma source(%dma_start3A_949 : memref<1000000x64xf32, #tpu.memory_space<hbm>>) target(%dma_start3A_945 : memref<128x64xf32, #tpu.memory_space<vmem>>) offsets(%dma_start3A_946 : memref<128xi32, #tpu.memory_space<vmem>>) semaphore(%arg9 : memref<!tpu.dma_semaphore, #tpu.memory_space<semaphore_mem>>)
      %dma_start3A_950 = arith.constant 2 : i32
      %dma_start3A_951 = arith.constant 384 : i32
      %dma_start3A_952 = arith.constant 0 : i32
      %dma_start3A_953 = tpu.memref_slice %arg6[%dma_start3A_950, %dma_start3A_951, %dma_start3A_952] : memref<3x512x64xf32, #tpu.memory_space<vmem>> -> memref<1x128x64xf32, #tpu.memory_space<vmem>>
      %dma_start3A_954 = tpu.memref_squeeze %dma_start3A_953 : memref<1x128x64xf32, #tpu.memory_space<vmem>> -> memref<128x64xf32, #tpu.memory_space<vmem>>
      %dma_start3A_955 = tpu.memref_slice %arg5[%add3A_922] : memref<25600xi32, #tpu.memory_space<vmem>> -> memref<128xi32, #tpu.memory_space<vmem>>
      %dma_start3A_956 = arith.constant 0 : i32
      %dma_start3A_957 = arith.constant 0 : i32
      %dma_start3A_958 = tpu.memref_slice %arg2[%dma_start3A_956, %dma_start3A_957] : memref<1000000x64xf32, #tpu.memory_space<hbm>> -> memref<1000000x64xf32, #tpu.memory_space<hbm>>
      tpu.enqueue_indirect_dma source(%dma_start3A_958 : memref<1000000x64xf32, #tpu.memory_space<hbm>>) target(%dma_start3A_954 : memref<128x64xf32, #tpu.memory_space<vmem>>) offsets(%dma_start3A_955 : memref<128xi32, #tpu.memory_space<vmem>>) semaphore(%arg9 : memref<!tpu.dma_semaphore, #tpu.memory_space<semaphore_mem>>)
      %mul3A_959 = arith.constant 512 : i32
      %mul3A_960 = arith.muli %add3A_884, %mul3A_959 : i32
      %add3A_961 = arith.constant 0 : i32
      %add3A_962 = arith.addi %mul3A_960, %add3A_961 : i32
      %mul3A_963 = arith.constant 512 : i32
      %mul3A_964 = arith.muli %add3A_884, %mul3A_963 : i32
      %add3A_965 = arith.constant 128 : i32
      %add3A_966 = arith.addi %mul3A_964, %add3A_965 : i32
      %mul3A_967 = arith.constant 512 : i32
      %mul3A_968 = arith.muli %add3A_884, %mul3A_967 : i32
      %add3A_969 = arith.constant 256 : i32
      %add3A_970 = arith.addi %mul3A_968, %add3A_969 : i32
      %mul3A_971 = arith.constant 512 : i32
      %mul3A_972 = arith.muli %add3A_884, %mul3A_971 : i32
      %add3A_973 = arith.constant 384 : i32
      %add3A_974 = arith.addi %mul3A_972, %add3A_973 : i32
      %dma_wait3A_975 = arith.constant 1 : i32
      %dma_wait3A_976 = arith.constant 0 : i32
      %dma_wait3A_977 = arith.constant 0 : i32
      %dma_wait3A_978 = tpu.memref_slice %arg6[%dma_wait3A_975, %dma_wait3A_976, %dma_wait3A_977] : memref<3x512x64xf32, #tpu.memory_space<vmem>> -> memref<1x128x64xf32, #tpu.memory_space<vmem>>
      %dma_wait3A_979 = tpu.memref_squeeze %dma_wait3A_978 : memref<1x128x64xf32, #tpu.memory_space<vmem>> -> memref<128x64xf32, #tpu.memory_space<vmem>>
      %dma_wait3A_980 = tpu.memref_slice %arg5[%add3A_962] : memref<25600xi32, #tpu.memory_space<vmem>> -> memref<128xi32, #tpu.memory_space<vmem>>
      %dma_wait3A_981 = arith.constant 0 : i32
      %dma_wait3A_982 = arith.constant 0 : i32
      %dma_wait3A_983 = tpu.memref_slice %arg2[%dma_wait3A_981, %dma_wait3A_982] : memref<1000000x64xf32, #tpu.memory_space<hbm>> -> memref<1000000x64xf32, #tpu.memory_space<hbm>>
      tpu.wait_indirect_dma semaphore(%arg8 : memref<!tpu.dma_semaphore, #tpu.memory_space<semaphore_mem>>) src(%dma_wait3A_983 : memref<1000000x64xf32, #tpu.memory_space<hbm>>) dst(%dma_wait3A_979 : memref<128x64xf32, #tpu.memory_space<vmem>>)
      %dma_wait3A_984 = arith.constant 1 : i32
      %dma_wait3A_985 = arith.constant 128 : i32
      %dma_wait3A_986 = arith.constant 0 : i32
      %dma_wait3A_987 = tpu.memref_slice %arg6[%dma_wait3A_984, %dma_wait3A_985, %dma_wait3A_986] : memref<3x512x64xf32, #tpu.memory_space<vmem>> -> memref<1x128x64xf32, #tpu.memory_space<vmem>>
      %dma_wait3A_988 = tpu.memref_squeeze %dma_wait3A_987 : memref<1x128x64xf32, #tpu.memory_space<vmem>> -> memref<128x64xf32, #tpu.memory_space<vmem>>
      %dma_wait3A_989 = tpu.memref_slice %arg5[%add3A_966] : memref<25600xi32, #tpu.memory_space<vmem>> -> memref<128xi32, #tpu.memory_space<vmem>>
      %dma_wait3A_990 = arith.constant 0 : i32
      %dma_wait3A_991 = arith.constant 0 : i32
      %dma_wait3A_992 = tpu.memref_slice %arg2[%dma_wait3A_990, %dma_wait3A_991] : memref<1000000x64xf32, #tpu.memory_space<hbm>> -> memref<1000000x64xf32, #tpu.memory_space<hbm>>
      tpu.wait_indirect_dma semaphore(%arg8 : memref<!tpu.dma_semaphore, #tpu.memory_space<semaphore_mem>>) src(%dma_wait3A_992 : memref<1000000x64xf32, #tpu.memory_space<hbm>>) dst(%dma_wait3A_988 : memref<128x64xf32, #tpu.memory_space<vmem>>)
      %dma_wait3A_993 = arith.constant 1 : i32
      %dma_wait3A_994 = arith.constant 256 : i32
      %dma_wait3A_995 = arith.constant 0 : i32
      %dma_wait3A_996 = tpu.memref_slice %arg6[%dma_wait3A_993, %dma_wait3A_994, %dma_wait3A_995] : memref<3x512x64xf32, #tpu.memory_space<vmem>> -> memref<1x128x64xf32, #tpu.memory_space<vmem>>
      %dma_wait3A_997 = tpu.memref_squeeze %dma_wait3A_996 : memref<1x128x64xf32, #tpu.memory_space<vmem>> -> memref<128x64xf32, #tpu.memory_space<vmem>>
      %dma_wait3A_998 = tpu.memref_slice %arg5[%add3A_970] : memref<25600xi32, #tpu.memory_space<vmem>> -> memref<128xi32, #tpu.memory_space<vmem>>
      %dma_wait3A_999 = arith.constant 0 : i32
      %dma_wait3A_1000 = arith.constant 0 : i32
      %dma_wait3A_1001 = tpu.memref_slice %arg2[%dma_wait3A_999, %dma_wait3A_1000] : memref<1000000x64xf32, #tpu.memory_space<hbm>> -> memref<1000000x64xf32, #tpu.memory_space<hbm>>
      tpu.wait_indirect_dma semaphore(%arg8 : memref<!tpu.dma_semaphore, #tpu.memory_space<semaphore_mem>>) src(%dma_wait3A_1001 : memref<1000000x64xf32, #tpu.memory_space<hbm>>) dst(%dma_wait3A_997 : memref<128x64xf32, #tpu.memory_space<vmem>>)
      %dma_wait3A_1002 = arith.constant 1 : i32
      %dma_wait3A_1003 = arith.constant 384 : i32
      %dma_wait3A_1004 = arith.constant 0 : i32
      %dma_wait3A_1005 = tpu.memref_slice %arg6[%dma_wait3A_1002, %dma_wait3A_1003, %dma_wait3A_1004] : memref<3x512x64xf32, #tpu.memory_space<vmem>> -> memref<1x128x64xf32, #tpu.memory_space<vmem>>
      %dma_wait3A_1006 = tpu.memref_squeeze %dma_wait3A_1005 : memref<1x128x64xf32, #tpu.memory_space<vmem>> -> memref<128x64xf32, #tpu.memory_space<vmem>>
      %dma_wait3A_1007 = tpu.memref_slice %arg5[%add3A_974] : memref<25600xi32, #tpu.memory_space<vmem>> -> memref<128xi32, #tpu.memory_space<vmem>>
      %dma_wait3A_1008 = arith.constant 0 : i32
      %dma_wait3A_1009 = arith.constant 0 : i32
      %dma_wait3A_1010 = tpu.memref_slice %arg2[%dma_wait3A_1008, %dma_wait3A_1009] : memref<1000000x64xf32, #tpu.memory_space<hbm>> -> memref<1000000x64xf32, #tpu.memory_space<hbm>>
      tpu.wait_indirect_dma semaphore(%arg8 : memref<!tpu.dma_semaphore, #tpu.memory_space<semaphore_mem>>) src(%dma_wait3A_1010 : memref<1000000x64xf32, #tpu.memory_space<hbm>>) dst(%dma_wait3A_1006 : memref<128x64xf32, #tpu.memory_space<vmem>>)
      %mul3A_1011 = arith.constant 25600 : i32
      %mul3A_1012 = arith.muli %add3A, %mul3A_1011 : i32
      %mul3A_1013 = arith.constant 512 : i32
      %mul3A_1014 = arith.muli %add3A_884, %mul3A_1013 : i32
      %add3A_1015 = arith.addi %mul3A_1012, %mul3A_1014 : i32
      %dma_start3A_1016 = arith.constant 1 : i32
      %dma_start3A_1017 = arith.constant 0 : i32
      %dma_start3A_1018 = arith.constant 0 : i32
      %dma_start3A_1019 = tpu.memref_slice %arg6[%dma_start3A_1016, %dma_start3A_1017, %dma_start3A_1018] : memref<3x512x64xf32, #tpu.memory_space<vmem>> -> memref<1x512x64xf32, #tpu.memory_space<vmem>>
      %dma_start3A_1020 = tpu.memref_squeeze %dma_start3A_1019 : memref<1x512x64xf32, #tpu.memory_space<vmem>> -> memref<512x64xf32, #tpu.memory_space<vmem>>
      %dma_start3A_1021 = arith.constant 0 : i32
      %dma_start3A_1022 = tpu.memref_slice %arg4[%add3A_1015, %dma_start3A_1021] : memref<819200x128xf32, #tpu.memory_space<hbm>> -> memref<512x64xf32, #tpu.memory_space<hbm>>
      %dma_start3A_1023 = arith.constant 0 : i32
      %dma_start3A_1024 = tpu.memref_slice %arg4[%add3A_1015, %dma_start3A_1023] : memref<819200x128xf32, #tpu.memory_space<hbm>> -> memref<512x64xf32, #tpu.memory_space<hbm>>
      %dma_start3A_1025 = arith.constant 0 : i32
      %dma_start3A_1026 = arith.constant 0 : i32
      %dma_start3A_1027 = tpu.memref_slice %arg6[%dma_start3A_1016, %dma_start3A_1025, %dma_start3A_1026] : memref<3x512x64xf32, #tpu.memory_space<vmem>> -> memref<1x512x64xf32, #tpu.memory_space<vmem>>
      %dma_start3A_1028 = tpu.memref_squeeze %dma_start3A_1027 : memref<1x512x64xf32, #tpu.memory_space<vmem>> -> memref<512x64xf32, #tpu.memory_space<vmem>>
      tpu.enqueue_dma source(%dma_start3A_1028 : memref<512x64xf32, #tpu.memory_space<vmem>>) target(%dma_start3A_1024 : memref<512x64xf32, #tpu.memory_space<hbm>>) target_semaphore(%arg11 : memref<!tpu.dma_semaphore, #tpu.memory_space<semaphore_mem>>)
    }
    %scan3A_238 = arith.constant 15 : i32
    %mul3A_239 = arith.constant 25600 : i32
    %mul3A_240 = arith.muli %add3A, %mul3A_239 : i32
    %add3A_241 = arith.constant 23040 : i32
    %add3A_242 = arith.addi %mul3A_240, %add3A_241 : i32
    %dma_wait3A_243 = arith.constant 0 : i32
    %dma_wait3A_244 = arith.constant 0 : i32
    %dma_wait3A_245 = arith.constant 0 : i32
    %dma_wait3A_246 = tpu.memref_slice %arg6[%dma_wait3A_243, %dma_wait3A_244, %dma_wait3A_245] : memref<3x512x64xf32, #tpu.memory_space<vmem>> -> memref<1x512x64xf32, #tpu.memory_space<vmem>>
    %dma_wait3A_247 = tpu.memref_squeeze %dma_wait3A_246 : memref<1x512x64xf32, #tpu.memory_space<vmem>> -> memref<512x64xf32, #tpu.memory_space<vmem>>
    %dma_wait3A_248 = arith.constant 0 : i32
    %dma_wait3A_249 = tpu.memref_slice %arg4[%add3A_242, %dma_wait3A_248] : memref<819200x128xf32, #tpu.memory_space<hbm>> -> memref<512x64xf32, #tpu.memory_space<hbm>>
    %dma_wait3A_250 = arith.constant 0 : i32
    %dma_wait3A_251 = tpu.memref_slice %arg4[%add3A_242, %dma_wait3A_250] : memref<819200x128xf32, #tpu.memory_space<hbm>> -> memref<512x64xf32, #tpu.memory_space<hbm>>
    %dma_wait3A_252 = arith.constant 0 : i32
    %dma_wait3A_253 = arith.constant 0 : i32
    %dma_wait3A_254 = tpu.memref_slice %arg6[%dma_wait3A_243, %dma_wait3A_252, %dma_wait3A_253] : memref<3x512x64xf32, #tpu.memory_space<vmem>> -> memref<1x512x64xf32, #tpu.memory_space<vmem>>
    %dma_wait3A_255 = tpu.memref_squeeze %dma_wait3A_254 : memref<1x512x64xf32, #tpu.memory_space<vmem>> -> memref<512x64xf32, #tpu.memory_space<vmem>>
    tpu.wait_dma2 semaphore(%arg10 : memref<!tpu.dma_semaphore, #tpu.memory_space<semaphore_mem>>) src(%dma_wait3A_255 : memref<512x64xf32, #tpu.memory_space<vmem>>) dst(%dma_wait3A_251 : memref<512x64xf32, #tpu.memory_space<hbm>>)
    %dma_start3A_256 = arith.constant 0 : i32
    %dma_start3A_257 = arith.constant 0 : i32
    %dma_start3A_258 = arith.constant 0 : i32
    %dma_start3A_259 = tpu.memref_slice %arg6[%dma_start3A_256, %dma_start3A_257, %dma_start3A_258] : memref<3x512x64xf32, #tpu.memory_space<vmem>> -> memref<1x128x64xf32, #tpu.memory_space<vmem>>
    %dma_start3A_260 = tpu.memref_squeeze %dma_start3A_259 : memref<1x128x64xf32, #tpu.memory_space<vmem>> -> memref<128x64xf32, #tpu.memory_space<vmem>>
    %dma_start3A_261 = arith.constant 24576 : i32
    %dma_start3A_262 = tpu.memref_slice %arg5[%dma_start3A_261] : memref<25600xi32, #tpu.memory_space<vmem>> -> memref<128xi32, #tpu.memory_space<vmem>>
    %dma_start3A_263 = arith.constant 0 : i32
    %dma_start3A_264 = arith.constant 0 : i32
    %dma_start3A_265 = tpu.memref_slice %arg2[%dma_start3A_263, %dma_start3A_264] : memref<1000000x64xf32, #tpu.memory_space<hbm>> -> memref<1000000x64xf32, #tpu.memory_space<hbm>>
    tpu.enqueue_indirect_dma source(%dma_start3A_265 : memref<1000000x64xf32, #tpu.memory_space<hbm>>) target(%dma_start3A_260 : memref<128x64xf32, #tpu.memory_space<vmem>>) offsets(%dma_start3A_262 : memref<128xi32, #tpu.memory_space<vmem>>) semaphore(%arg7 : memref<!tpu.dma_semaphore, #tpu.memory_space<semaphore_mem>>)
    %dma_start3A_266 = arith.constant 0 : i32
    %dma_start3A_267 = arith.constant 128 : i32
    %dma_start3A_268 = arith.constant 0 : i32
    %dma_start3A_269 = tpu.memref_slice %arg6[%dma_start3A_266, %dma_start3A_267, %dma_start3A_268] : memref<3x512x64xf32, #tpu.memory_space<vmem>> -> memref<1x128x64xf32, #tpu.memory_space<vmem>>
    %dma_start3A_270 = tpu.memref_squeeze %dma_start3A_269 : memref<1x128x64xf32, #tpu.memory_space<vmem>> -> memref<128x64xf32, #tpu.memory_space<vmem>>
    %dma_start3A_271 = arith.constant 24704 : i32
    %dma_start3A_272 = tpu.memref_slice %arg5[%dma_start3A_271] : memref<25600xi32, #tpu.memory_space<vmem>> -> memref<128xi32, #tpu.memory_space<vmem>>
    %dma_start3A_273 = arith.constant 0 : i32
    %dma_start3A_274 = arith.constant 0 : i32
    %dma_start3A_275 = tpu.memref_slice %arg2[%dma_start3A_273, %dma_start3A_274] : memref<1000000x64xf32, #tpu.memory_space<hbm>> -> memref<1000000x64xf32, #tpu.memory_space<hbm>>
    tpu.enqueue_indirect_dma source(%dma_start3A_275 : memref<1000000x64xf32, #tpu.memory_space<hbm>>) target(%dma_start3A_270 : memref<128x64xf32, #tpu.memory_space<vmem>>) offsets(%dma_start3A_272 : memref<128xi32, #tpu.memory_space<vmem>>) semaphore(%arg7 : memref<!tpu.dma_semaphore, #tpu.memory_space<semaphore_mem>>)
    %dma_start3A_276 = arith.constant 0 : i32
    %dma_start3A_277 = arith.constant 256 : i32
    %dma_start3A_278 = arith.constant 0 : i32
    %dma_start3A_279 = tpu.memref_slice %arg6[%dma_start3A_276, %dma_start3A_277, %dma_start3A_278] : memref<3x512x64xf32, #tpu.memory_space<vmem>> -> memref<1x128x64xf32, #tpu.memory_space<vmem>>
    %dma_start3A_280 = tpu.memref_squeeze %dma_start3A_279 : memref<1x128x64xf32, #tpu.memory_space<vmem>> -> memref<128x64xf32, #tpu.memory_space<vmem>>
    %dma_start3A_281 = arith.constant 24832 : i32
    %dma_start3A_282 = tpu.memref_slice %arg5[%dma_start3A_281] : memref<25600xi32, #tpu.memory_space<vmem>> -> memref<128xi32, #tpu.memory_space<vmem>>
    %dma_start3A_283 = arith.constant 0 : i32
    %dma_start3A_284 = arith.constant 0 : i32
    %dma_start3A_285 = tpu.memref_slice %arg2[%dma_start3A_283, %dma_start3A_284] : memref<1000000x64xf32, #tpu.memory_space<hbm>> -> memref<1000000x64xf32, #tpu.memory_space<hbm>>
    tpu.enqueue_indirect_dma source(%dma_start3A_285 : memref<1000000x64xf32, #tpu.memory_space<hbm>>) target(%dma_start3A_280 : memref<128x64xf32, #tpu.memory_space<vmem>>) offsets(%dma_start3A_282 : memref<128xi32, #tpu.memory_space<vmem>>) semaphore(%arg7 : memref<!tpu.dma_semaphore, #tpu.memory_space<semaphore_mem>>)
    %dma_start3A_286 = arith.constant 0 : i32
    %dma_start3A_287 = arith.constant 384 : i32
    %dma_start3A_288 = arith.constant 0 : i32
    %dma_start3A_289 = tpu.memref_slice %arg6[%dma_start3A_286, %dma_start3A_287, %dma_start3A_288] : memref<3x512x64xf32, #tpu.memory_space<vmem>> -> memref<1x128x64xf32, #tpu.memory_space<vmem>>
    %dma_start3A_290 = tpu.memref_squeeze %dma_start3A_289 : memref<1x128x64xf32, #tpu.memory_space<vmem>> -> memref<128x64xf32, #tpu.memory_space<vmem>>
    %dma_start3A_291 = arith.constant 24960 : i32
    %dma_start3A_292 = tpu.memref_slice %arg5[%dma_start3A_291] : memref<25600xi32, #tpu.memory_space<vmem>> -> memref<128xi32, #tpu.memory_space<vmem>>
    %dma_start3A_293 = arith.constant 0 : i32
    %dma_start3A_294 = arith.constant 0 : i32
    %dma_start3A_295 = tpu.memref_slice %arg2[%dma_start3A_293, %dma_start3A_294] : memref<1000000x64xf32, #tpu.memory_space<hbm>> -> memref<1000000x64xf32, #tpu.memory_space<hbm>>
    tpu.enqueue_indirect_dma source(%dma_start3A_295 : memref<1000000x64xf32, #tpu.memory_space<hbm>>) target(%dma_start3A_290 : memref<128x64xf32, #tpu.memory_space<vmem>>) offsets(%dma_start3A_292 : memref<128xi32, #tpu.memory_space<vmem>>) semaphore(%arg7 : memref<!tpu.dma_semaphore, #tpu.memory_space<semaphore_mem>>)
    %dma_wait3A_296 = arith.constant 2 : i32
    %dma_wait3A_297 = arith.constant 0 : i32
    %dma_wait3A_298 = arith.constant 0 : i32
    %dma_wait3A_299 = tpu.memref_slice %arg6[%dma_wait3A_296, %dma_wait3A_297, %dma_wait3A_298] : memref<3x512x64xf32, #tpu.memory_space<vmem>> -> memref<1x128x64xf32, #tpu.memory_space<vmem>>
    %dma_wait3A_300 = tpu.memref_squeeze %dma_wait3A_299 : memref<1x128x64xf32, #tpu.memory_space<vmem>> -> memref<128x64xf32, #tpu.memory_space<vmem>>
    %dma_wait3A_301 = arith.constant 24064 : i32
    %dma_wait3A_302 = tpu.memref_slice %arg5[%dma_wait3A_301] : memref<25600xi32, #tpu.memory_space<vmem>> -> memref<128xi32, #tpu.memory_space<vmem>>
    %dma_wait3A_303 = arith.constant 0 : i32
    %dma_wait3A_304 = arith.constant 0 : i32
    %dma_wait3A_305 = tpu.memref_slice %arg2[%dma_wait3A_303, %dma_wait3A_304] : memref<1000000x64xf32, #tpu.memory_space<hbm>> -> memref<1000000x64xf32, #tpu.memory_space<hbm>>
    tpu.wait_indirect_dma semaphore(%arg9 : memref<!tpu.dma_semaphore, #tpu.memory_space<semaphore_mem>>) src(%dma_wait3A_305 : memref<1000000x64xf32, #tpu.memory_space<hbm>>) dst(%dma_wait3A_300 : memref<128x64xf32, #tpu.memory_space<vmem>>)
    %dma_wait3A_306 = arith.constant 2 : i32
    %dma_wait3A_307 = arith.constant 128 : i32
    %dma_wait3A_308 = arith.constant 0 : i32
    %dma_wait3A_309 = tpu.memref_slice %arg6[%dma_wait3A_306, %dma_wait3A_307, %dma_wait3A_308] : memref<3x512x64xf32, #tpu.memory_space<vmem>> -> memref<1x128x64xf32, #tpu.memory_space<vmem>>
    %dma_wait3A_310 = tpu.memref_squeeze %dma_wait3A_309 : memref<1x128x64xf32, #tpu.memory_space<vmem>> -> memref<128x64xf32, #tpu.memory_space<vmem>>
    %dma_wait3A_311 = arith.constant 24192 : i32
    %dma_wait3A_312 = tpu.memref_slice %arg5[%dma_wait3A_311] : memref<25600xi32, #tpu.memory_space<vmem>> -> memref<128xi32, #tpu.memory_space<vmem>>
    %dma_wait3A_313 = arith.constant 0 : i32
    %dma_wait3A_314 = arith.constant 0 : i32
    %dma_wait3A_315 = tpu.memref_slice %arg2[%dma_wait3A_313, %dma_wait3A_314] : memref<1000000x64xf32, #tpu.memory_space<hbm>> -> memref<1000000x64xf32, #tpu.memory_space<hbm>>
    tpu.wait_indirect_dma semaphore(%arg9 : memref<!tpu.dma_semaphore, #tpu.memory_space<semaphore_mem>>) src(%dma_wait3A_315 : memref<1000000x64xf32, #tpu.memory_space<hbm>>) dst(%dma_wait3A_310 : memref<128x64xf32, #tpu.memory_space<vmem>>)
    %dma_wait3A_316 = arith.constant 2 : i32
    %dma_wait3A_317 = arith.constant 256 : i32
    %dma_wait3A_318 = arith.constant 0 : i32
    %dma_wait3A_319 = tpu.memref_slice %arg6[%dma_wait3A_316, %dma_wait3A_317, %dma_wait3A_318] : memref<3x512x64xf32, #tpu.memory_space<vmem>> -> memref<1x128x64xf32, #tpu.memory_space<vmem>>
    %dma_wait3A_320 = tpu.memref_squeeze %dma_wait3A_319 : memref<1x128x64xf32, #tpu.memory_space<vmem>> -> memref<128x64xf32, #tpu.memory_space<vmem>>
    %dma_wait3A_321 = arith.constant 24320 : i32
    %dma_wait3A_322 = tpu.memref_slice %arg5[%dma_wait3A_321] : memref<25600xi32, #tpu.memory_space<vmem>> -> memref<128xi32, #tpu.memory_space<vmem>>
    %dma_wait3A_323 = arith.constant 0 : i32
    %dma_wait3A_324 = arith.constant 0 : i32
    %dma_wait3A_325 = tpu.memref_slice %arg2[%dma_wait3A_323, %dma_wait3A_324] : memref<1000000x64xf32, #tpu.memory_space<hbm>> -> memref<1000000x64xf32, #tpu.memory_space<hbm>>
    tpu.wait_indirect_dma semaphore(%arg9 : memref<!tpu.dma_semaphore, #tpu.memory_space<semaphore_mem>>) src(%dma_wait3A_325 : memref<1000000x64xf32, #tpu.memory_space<hbm>>) dst(%dma_wait3A_320 : memref<128x64xf32, #tpu.memory_space<vmem>>)
    %dma_wait3A_326 = arith.constant 2 : i32
    %dma_wait3A_327 = arith.constant 384 : i32
    %dma_wait3A_328 = arith.constant 0 : i32
    %dma_wait3A_329 = tpu.memref_slice %arg6[%dma_wait3A_326, %dma_wait3A_327, %dma_wait3A_328] : memref<3x512x64xf32, #tpu.memory_space<vmem>> -> memref<1x128x64xf32, #tpu.memory_space<vmem>>
    %dma_wait3A_330 = tpu.memref_squeeze %dma_wait3A_329 : memref<1x128x64xf32, #tpu.memory_space<vmem>> -> memref<128x64xf32, #tpu.memory_space<vmem>>
    %dma_wait3A_331 = arith.constant 24448 : i32
    %dma_wait3A_332 = tpu.memref_slice %arg5[%dma_wait3A_331] : memref<25600xi32, #tpu.memory_space<vmem>> -> memref<128xi32, #tpu.memory_space<vmem>>
    %dma_wait3A_333 = arith.constant 0 : i32
    %dma_wait3A_334 = arith.constant 0 : i32
    %dma_wait3A_335 = tpu.memref_slice %arg2[%dma_wait3A_333, %dma_wait3A_334] : memref<1000000x64xf32, #tpu.memory_space<hbm>> -> memref<1000000x64xf32, #tpu.memory_space<hbm>>
    tpu.wait_indirect_dma semaphore(%arg9 : memref<!tpu.dma_semaphore, #tpu.memory_space<semaphore_mem>>) src(%dma_wait3A_335 : memref<1000000x64xf32, #tpu.memory_space<hbm>>) dst(%dma_wait3A_330 : memref<128x64xf32, #tpu.memory_space<vmem>>)
    %mul3A_336 = arith.constant 25600 : i32
    %mul3A_337 = arith.muli %add3A, %mul3A_336 : i32
    %add3A_338 = arith.constant 24064 : i32
    %add3A_339 = arith.addi %mul3A_337, %add3A_338 : i32
    %dma_start3A_340 = arith.constant 2 : i32
    %dma_start3A_341 = arith.constant 0 : i32
    %dma_start3A_342 = arith.constant 0 : i32
    %dma_start3A_343 = tpu.memref_slice %arg6[%dma_start3A_340, %dma_start3A_341, %dma_start3A_342] : memref<3x512x64xf32, #tpu.memory_space<vmem>> -> memref<1x512x64xf32, #tpu.memory_space<vmem>>
    %dma_start3A_344 = tpu.memref_squeeze %dma_start3A_343 : memref<1x512x64xf32, #tpu.memory_space<vmem>> -> memref<512x64xf32, #tpu.memory_space<vmem>>
    %dma_start3A_345 = arith.constant 0 : i32
    %dma_start3A_346 = tpu.memref_slice %arg4[%add3A_339, %dma_start3A_345] : memref<819200x128xf32, #tpu.memory_space<hbm>> -> memref<512x64xf32, #tpu.memory_space<hbm>>
    %dma_start3A_347 = arith.constant 0 : i32
    %dma_start3A_348 = tpu.memref_slice %arg4[%add3A_339, %dma_start3A_347] : memref<819200x128xf32, #tpu.memory_space<hbm>> -> memref<512x64xf32, #tpu.memory_space<hbm>>
    %dma_start3A_349 = arith.constant 0 : i32
    %dma_start3A_350 = arith.constant 0 : i32
    %dma_start3A_351 = tpu.memref_slice %arg6[%dma_start3A_340, %dma_start3A_349, %dma_start3A_350] : memref<3x512x64xf32, #tpu.memory_space<vmem>> -> memref<1x512x64xf32, #tpu.memory_space<vmem>>
    %dma_start3A_352 = tpu.memref_squeeze %dma_start3A_351 : memref<1x512x64xf32, #tpu.memory_space<vmem>> -> memref<512x64xf32, #tpu.memory_space<vmem>>
    tpu.enqueue_dma source(%dma_start3A_352 : memref<512x64xf32, #tpu.memory_space<vmem>>) target(%dma_start3A_348 : memref<512x64xf32, #tpu.memory_space<hbm>>) target_semaphore(%arg12 : memref<!tpu.dma_semaphore, #tpu.memory_space<semaphore_mem>>)
    %mul3A_353 = arith.constant 25600 : i32
    %mul3A_354 = arith.muli %add3A, %mul3A_353 : i32
    %add3A_355 = arith.constant 23552 : i32
    %add3A_356 = arith.addi %mul3A_354, %add3A_355 : i32
    %dma_wait3A_357 = arith.constant 1 : i32
    %dma_wait3A_358 = arith.constant 0 : i32
    %dma_wait3A_359 = arith.constant 0 : i32
    %dma_wait3A_360 = tpu.memref_slice %arg6[%dma_wait3A_357, %dma_wait3A_358, %dma_wait3A_359] : memref<3x512x64xf32, #tpu.memory_space<vmem>> -> memref<1x512x64xf32, #tpu.memory_space<vmem>>
    %dma_wait3A_361 = tpu.memref_squeeze %dma_wait3A_360 : memref<1x512x64xf32, #tpu.memory_space<vmem>> -> memref<512x64xf32, #tpu.memory_space<vmem>>
    %dma_wait3A_362 = arith.constant 0 : i32
    %dma_wait3A_363 = tpu.memref_slice %arg4[%add3A_356, %dma_wait3A_362] : memref<819200x128xf32, #tpu.memory_space<hbm>> -> memref<512x64xf32, #tpu.memory_space<hbm>>
    %dma_wait3A_364 = arith.constant 0 : i32
    %dma_wait3A_365 = tpu.memref_slice %arg4[%add3A_356, %dma_wait3A_364] : memref<819200x128xf32, #tpu.memory_space<hbm>> -> memref<512x64xf32, #tpu.memory_space<hbm>>
    %dma_wait3A_366 = arith.constant 0 : i32
    %dma_wait3A_367 = arith.constant 0 : i32
    %dma_wait3A_368 = tpu.memref_slice %arg6[%dma_wait3A_357, %dma_wait3A_366, %dma_wait3A_367] : memref<3x512x64xf32, #tpu.memory_space<vmem>> -> memref<1x512x64xf32, #tpu.memory_space<vmem>>
    %dma_wait3A_369 = tpu.memref_squeeze %dma_wait3A_368 : memref<1x512x64xf32, #tpu.memory_space<vmem>> -> memref<512x64xf32, #tpu.memory_space<vmem>>
    tpu.wait_dma2 semaphore(%arg11 : memref<!tpu.dma_semaphore, #tpu.memory_space<semaphore_mem>>) src(%dma_wait3A_369 : memref<512x64xf32, #tpu.memory_space<vmem>>) dst(%dma_wait3A_365 : memref<512x64xf32, #tpu.memory_space<hbm>>)
    %dma_start3A_370 = arith.constant 1 : i32
    %dma_start3A_371 = arith.constant 0 : i32
    %dma_start3A_372 = arith.constant 0 : i32
    %dma_start3A_373 = tpu.memref_slice %arg6[%dma_start3A_370, %dma_start3A_371, %dma_start3A_372] : memref<3x512x64xf32, #tpu.memory_space<vmem>> -> memref<1x128x64xf32, #tpu.memory_space<vmem>>
    %dma_start3A_374 = tpu.memref_squeeze %dma_start3A_373 : memref<1x128x64xf32, #tpu.memory_space<vmem>> -> memref<128x64xf32, #tpu.memory_space<vmem>>
    %dma_start3A_375 = arith.constant 25088 : i32
    %dma_start3A_376 = tpu.memref_slice %arg5[%dma_start3A_375] : memref<25600xi32, #tpu.memory_space<vmem>> -> memref<128xi32, #tpu.memory_space<vmem>>
    %dma_start3A_377 = arith.constant 0 : i32
    %dma_start3A_378 = arith.constant 0 : i32
    %dma_start3A_379 = tpu.memref_slice %arg2[%dma_start3A_377, %dma_start3A_378] : memref<1000000x64xf32, #tpu.memory_space<hbm>> -> memref<1000000x64xf32, #tpu.memory_space<hbm>>
    tpu.enqueue_indirect_dma source(%dma_start3A_379 : memref<1000000x64xf32, #tpu.memory_space<hbm>>) target(%dma_start3A_374 : memref<128x64xf32, #tpu.memory_space<vmem>>) offsets(%dma_start3A_376 : memref<128xi32, #tpu.memory_space<vmem>>) semaphore(%arg8 : memref<!tpu.dma_semaphore, #tpu.memory_space<semaphore_mem>>)
    %dma_start3A_380 = arith.constant 1 : i32
    %dma_start3A_381 = arith.constant 128 : i32
    %dma_start3A_382 = arith.constant 0 : i32
    %dma_start3A_383 = tpu.memref_slice %arg6[%dma_start3A_380, %dma_start3A_381, %dma_start3A_382] : memref<3x512x64xf32, #tpu.memory_space<vmem>> -> memref<1x128x64xf32, #tpu.memory_space<vmem>>
    %dma_start3A_384 = tpu.memref_squeeze %dma_start3A_383 : memref<1x128x64xf32, #tpu.memory_space<vmem>> -> memref<128x64xf32, #tpu.memory_space<vmem>>
    %dma_start3A_385 = arith.constant 25216 : i32
    %dma_start3A_386 = tpu.memref_slice %arg5[%dma_start3A_385] : memref<25600xi32, #tpu.memory_space<vmem>> -> memref<128xi32, #tpu.memory_space<vmem>>
    %dma_start3A_387 = arith.constant 0 : i32
    %dma_start3A_388 = arith.constant 0 : i32
    %dma_start3A_389 = tpu.memref_slice %arg2[%dma_start3A_387, %dma_start3A_388] : memref<1000000x64xf32, #tpu.memory_space<hbm>> -> memref<1000000x64xf32, #tpu.memory_space<hbm>>
    tpu.enqueue_indirect_dma source(%dma_start3A_389 : memref<1000000x64xf32, #tpu.memory_space<hbm>>) target(%dma_start3A_384 : memref<128x64xf32, #tpu.memory_space<vmem>>) offsets(%dma_start3A_386 : memref<128xi32, #tpu.memory_space<vmem>>) semaphore(%arg8 : memref<!tpu.dma_semaphore, #tpu.memory_space<semaphore_mem>>)
    %dma_start3A_390 = arith.constant 1 : i32
    %dma_start3A_391 = arith.constant 256 : i32
    %dma_start3A_392 = arith.constant 0 : i32
    %dma_start3A_393 = tpu.memref_slice %arg6[%dma_start3A_390, %dma_start3A_391, %dma_start3A_392] : memref<3x512x64xf32, #tpu.memory_space<vmem>> -> memref<1x128x64xf32, #tpu.memory_space<vmem>>
    %dma_start3A_394 = tpu.memref_squeeze %dma_start3A_393 : memref<1x128x64xf32, #tpu.memory_space<vmem>> -> memref<128x64xf32, #tpu.memory_space<vmem>>
    %dma_start3A_395 = arith.constant 25344 : i32
    %dma_start3A_396 = tpu.memref_slice %arg5[%dma_start3A_395] : memref<25600xi32, #tpu.memory_space<vmem>> -> memref<128xi32, #tpu.memory_space<vmem>>
    %dma_start3A_397 = arith.constant 0 : i32
    %dma_start3A_398 = arith.constant 0 : i32
    %dma_start3A_399 = tpu.memref_slice %arg2[%dma_start3A_397, %dma_start3A_398] : memref<1000000x64xf32, #tpu.memory_space<hbm>> -> memref<1000000x64xf32, #tpu.memory_space<hbm>>
    tpu.enqueue_indirect_dma source(%dma_start3A_399 : memref<1000000x64xf32, #tpu.memory_space<hbm>>) target(%dma_start3A_394 : memref<128x64xf32, #tpu.memory_space<vmem>>) offsets(%dma_start3A_396 : memref<128xi32, #tpu.memory_space<vmem>>) semaphore(%arg8 : memref<!tpu.dma_semaphore, #tpu.memory_space<semaphore_mem>>)
    %dma_start3A_400 = arith.constant 1 : i32
    %dma_start3A_401 = arith.constant 384 : i32
    %dma_start3A_402 = arith.constant 0 : i32
    %dma_start3A_403 = tpu.memref_slice %arg6[%dma_start3A_400, %dma_start3A_401, %dma_start3A_402] : memref<3x512x64xf32, #tpu.memory_space<vmem>> -> memref<1x128x64xf32, #tpu.memory_space<vmem>>
    %dma_start3A_404 = tpu.memref_squeeze %dma_start3A_403 : memref<1x128x64xf32, #tpu.memory_space<vmem>> -> memref<128x64xf32, #tpu.memory_space<vmem>>
    %dma_start3A_405 = arith.constant 25472 : i32
    %dma_start3A_406 = tpu.memref_slice %arg5[%dma_start3A_405] : memref<25600xi32, #tpu.memory_space<vmem>> -> memref<128xi32, #tpu.memory_space<vmem>>
    %dma_start3A_407 = arith.constant 0 : i32
    %dma_start3A_408 = arith.constant 0 : i32
    %dma_start3A_409 = tpu.memref_slice %arg2[%dma_start3A_407, %dma_start3A_408] : memref<1000000x64xf32, #tpu.memory_space<hbm>> -> memref<1000000x64xf32, #tpu.memory_space<hbm>>
    tpu.enqueue_indirect_dma source(%dma_start3A_409 : memref<1000000x64xf32, #tpu.memory_space<hbm>>) target(%dma_start3A_404 : memref<128x64xf32, #tpu.memory_space<vmem>>) offsets(%dma_start3A_406 : memref<128xi32, #tpu.memory_space<vmem>>) semaphore(%arg8 : memref<!tpu.dma_semaphore, #tpu.memory_space<semaphore_mem>>)
    %dma_wait3A_410 = arith.constant 0 : i32
    %dma_wait3A_411 = arith.constant 0 : i32
    %dma_wait3A_412 = arith.constant 0 : i32
    %dma_wait3A_413 = tpu.memref_slice %arg6[%dma_wait3A_410, %dma_wait3A_411, %dma_wait3A_412] : memref<3x512x64xf32, #tpu.memory_space<vmem>> -> memref<1x128x64xf32, #tpu.memory_space<vmem>>
    %dma_wait3A_414 = tpu.memref_squeeze %dma_wait3A_413 : memref<1x128x64xf32, #tpu.memory_space<vmem>> -> memref<128x64xf32, #tpu.memory_space<vmem>>
    %dma_wait3A_415 = arith.constant 24576 : i32
    %dma_wait3A_416 = tpu.memref_slice %arg5[%dma_wait3A_415] : memref<25600xi32, #tpu.memory_space<vmem>> -> memref<128xi32, #tpu.memory_space<vmem>>
    %dma_wait3A_417 = arith.constant 0 : i32
    %dma_wait3A_418 = arith.constant 0 : i32
    %dma_wait3A_419 = tpu.memref_slice %arg2[%dma_wait3A_417, %dma_wait3A_418] : memref<1000000x64xf32, #tpu.memory_space<hbm>> -> memref<1000000x64xf32, #tpu.memory_space<hbm>>
    tpu.wait_indirect_dma semaphore(%arg7 : memref<!tpu.dma_semaphore, #tpu.memory_space<semaphore_mem>>) src(%dma_wait3A_419 : memref<1000000x64xf32, #tpu.memory_space<hbm>>) dst(%dma_wait3A_414 : memref<128x64xf32, #tpu.memory_space<vmem>>)
    %dma_wait3A_420 = arith.constant 0 : i32
    %dma_wait3A_421 = arith.constant 128 : i32
    %dma_wait3A_422 = arith.constant 0 : i32
    %dma_wait3A_423 = tpu.memref_slice %arg6[%dma_wait3A_420, %dma_wait3A_421, %dma_wait3A_422] : memref<3x512x64xf32, #tpu.memory_space<vmem>> -> memref<1x128x64xf32, #tpu.memory_space<vmem>>
    %dma_wait3A_424 = tpu.memref_squeeze %dma_wait3A_423 : memref<1x128x64xf32, #tpu.memory_space<vmem>> -> memref<128x64xf32, #tpu.memory_space<vmem>>
    %dma_wait3A_425 = arith.constant 24704 : i32
    %dma_wait3A_426 = tpu.memref_slice %arg5[%dma_wait3A_425] : memref<25600xi32, #tpu.memory_space<vmem>> -> memref<128xi32, #tpu.memory_space<vmem>>
    %dma_wait3A_427 = arith.constant 0 : i32
    %dma_wait3A_428 = arith.constant 0 : i32
    %dma_wait3A_429 = tpu.memref_slice %arg2[%dma_wait3A_427, %dma_wait3A_428] : memref<1000000x64xf32, #tpu.memory_space<hbm>> -> memref<1000000x64xf32, #tpu.memory_space<hbm>>
    tpu.wait_indirect_dma semaphore(%arg7 : memref<!tpu.dma_semaphore, #tpu.memory_space<semaphore_mem>>) src(%dma_wait3A_429 : memref<1000000x64xf32, #tpu.memory_space<hbm>>) dst(%dma_wait3A_424 : memref<128x64xf32, #tpu.memory_space<vmem>>)
    %dma_wait3A_430 = arith.constant 0 : i32
    %dma_wait3A_431 = arith.constant 256 : i32
    %dma_wait3A_432 = arith.constant 0 : i32
    %dma_wait3A_433 = tpu.memref_slice %arg6[%dma_wait3A_430, %dma_wait3A_431, %dma_wait3A_432] : memref<3x512x64xf32, #tpu.memory_space<vmem>> -> memref<1x128x64xf32, #tpu.memory_space<vmem>>
    %dma_wait3A_434 = tpu.memref_squeeze %dma_wait3A_433 : memref<1x128x64xf32, #tpu.memory_space<vmem>> -> memref<128x64xf32, #tpu.memory_space<vmem>>
    %dma_wait3A_435 = arith.constant 24832 : i32
    %dma_wait3A_436 = tpu.memref_slice %arg5[%dma_wait3A_435] : memref<25600xi32, #tpu.memory_space<vmem>> -> memref<128xi32, #tpu.memory_space<vmem>>
    %dma_wait3A_437 = arith.constant 0 : i32
    %dma_wait3A_438 = arith.constant 0 : i32
    %dma_wait3A_439 = tpu.memref_slice %arg2[%dma_wait3A_437, %dma_wait3A_438] : memref<1000000x64xf32, #tpu.memory_space<hbm>> -> memref<1000000x64xf32, #tpu.memory_space<hbm>>
    tpu.wait_indirect_dma semaphore(%arg7 : memref<!tpu.dma_semaphore, #tpu.memory_space<semaphore_mem>>) src(%dma_wait3A_439 : memref<1000000x64xf32, #tpu.memory_space<hbm>>) dst(%dma_wait3A_434 : memref<128x64xf32, #tpu.memory_space<vmem>>)
    %dma_wait3A_440 = arith.constant 0 : i32
    %dma_wait3A_441 = arith.constant 384 : i32
    %dma_wait3A_442 = arith.constant 0 : i32
    %dma_wait3A_443 = tpu.memref_slice %arg6[%dma_wait3A_440, %dma_wait3A_441, %dma_wait3A_442] : memref<3x512x64xf32, #tpu.memory_space<vmem>> -> memref<1x128x64xf32, #tpu.memory_space<vmem>>
    %dma_wait3A_444 = tpu.memref_squeeze %dma_wait3A_443 : memref<1x128x64xf32, #tpu.memory_space<vmem>> -> memref<128x64xf32, #tpu.memory_space<vmem>>
    %dma_wait3A_445 = arith.constant 24960 : i32
    %dma_wait3A_446 = tpu.memref_slice %arg5[%dma_wait3A_445] : memref<25600xi32, #tpu.memory_space<vmem>> -> memref<128xi32, #tpu.memory_space<vmem>>
    %dma_wait3A_447 = arith.constant 0 : i32
    %dma_wait3A_448 = arith.constant 0 : i32
    %dma_wait3A_449 = tpu.memref_slice %arg2[%dma_wait3A_447, %dma_wait3A_448] : memref<1000000x64xf32, #tpu.memory_space<hbm>> -> memref<1000000x64xf32, #tpu.memory_space<hbm>>
    tpu.wait_indirect_dma semaphore(%arg7 : memref<!tpu.dma_semaphore, #tpu.memory_space<semaphore_mem>>) src(%dma_wait3A_449 : memref<1000000x64xf32, #tpu.memory_space<hbm>>) dst(%dma_wait3A_444 : memref<128x64xf32, #tpu.memory_space<vmem>>)
    %mul3A_450 = arith.constant 25600 : i32
    %mul3A_451 = arith.muli %add3A, %mul3A_450 : i32
    %add3A_452 = arith.constant 24576 : i32
    %add3A_453 = arith.addi %mul3A_451, %add3A_452 : i32
    %dma_start3A_454 = arith.constant 0 : i32
    %dma_start3A_455 = arith.constant 0 : i32
    %dma_start3A_456 = arith.constant 0 : i32
    %dma_start3A_457 = tpu.memref_slice %arg6[%dma_start3A_454, %dma_start3A_455, %dma_start3A_456] : memref<3x512x64xf32, #tpu.memory_space<vmem>> -> memref<1x512x64xf32, #tpu.memory_space<vmem>>
    %dma_start3A_458 = tpu.memref_squeeze %dma_start3A_457 : memref<1x512x64xf32, #tpu.memory_space<vmem>> -> memref<512x64xf32, #tpu.memory_space<vmem>>
    %dma_start3A_459 = arith.constant 0 : i32
    %dma_start3A_460 = tpu.memref_slice %arg4[%add3A_453, %dma_start3A_459] : memref<819200x128xf32, #tpu.memory_space<hbm>> -> memref<512x64xf32, #tpu.memory_space<hbm>>
    %dma_start3A_461 = arith.constant 0 : i32
    %dma_start3A_462 = tpu.memref_slice %arg4[%add3A_453, %dma_start3A_461] : memref<819200x128xf32, #tpu.memory_space<hbm>> -> memref<512x64xf32, #tpu.memory_space<hbm>>
    %dma_start3A_463 = arith.constant 0 : i32
    %dma_start3A_464 = arith.constant 0 : i32
    %dma_start3A_465 = tpu.memref_slice %arg6[%dma_start3A_454, %dma_start3A_463, %dma_start3A_464] : memref<3x512x64xf32, #tpu.memory_space<vmem>> -> memref<1x512x64xf32, #tpu.memory_space<vmem>>
    %dma_start3A_466 = tpu.memref_squeeze %dma_start3A_465 : memref<1x512x64xf32, #tpu.memory_space<vmem>> -> memref<512x64xf32, #tpu.memory_space<vmem>>
    tpu.enqueue_dma source(%dma_start3A_466 : memref<512x64xf32, #tpu.memory_space<vmem>>) target(%dma_start3A_462 : memref<512x64xf32, #tpu.memory_space<hbm>>) target_semaphore(%arg10 : memref<!tpu.dma_semaphore, #tpu.memory_space<semaphore_mem>>)
    %dma_wait3A_467 = arith.constant 1 : i32
    %dma_wait3A_468 = arith.constant 0 : i32
    %dma_wait3A_469 = arith.constant 0 : i32
    %dma_wait3A_470 = tpu.memref_slice %arg6[%dma_wait3A_467, %dma_wait3A_468, %dma_wait3A_469] : memref<3x512x64xf32, #tpu.memory_space<vmem>> -> memref<1x128x64xf32, #tpu.memory_space<vmem>>
    %dma_wait3A_471 = tpu.memref_squeeze %dma_wait3A_470 : memref<1x128x64xf32, #tpu.memory_space<vmem>> -> memref<128x64xf32, #tpu.memory_space<vmem>>
    %dma_wait3A_472 = arith.constant 25088 : i32
    %dma_wait3A_473 = tpu.memref_slice %arg5[%dma_wait3A_472] : memref<25600xi32, #tpu.memory_space<vmem>> -> memref<128xi32, #tpu.memory_space<vmem>>
    %dma_wait3A_474 = arith.constant 0 : i32
    %dma_wait3A_475 = arith.constant 0 : i32
    %dma_wait3A_476 = tpu.memref_slice %arg2[%dma_wait3A_474, %dma_wait3A_475] : memref<1000000x64xf32, #tpu.memory_space<hbm>> -> memref<1000000x64xf32, #tpu.memory_space<hbm>>
    tpu.wait_indirect_dma semaphore(%arg8 : memref<!tpu.dma_semaphore, #tpu.memory_space<semaphore_mem>>) src(%dma_wait3A_476 : memref<1000000x64xf32, #tpu.memory_space<hbm>>) dst(%dma_wait3A_471 : memref<128x64xf32, #tpu.memory_space<vmem>>)
    %dma_wait3A_477 = arith.constant 1 : i32
    %dma_wait3A_478 = arith.constant 128 : i32
    %dma_wait3A_479 = arith.constant 0 : i32
    %dma_wait3A_480 = tpu.memref_slice %arg6[%dma_wait3A_477, %dma_wait3A_478, %dma_wait3A_479] : memref<3x512x64xf32, #tpu.memory_space<vmem>> -> memref<1x128x64xf32, #tpu.memory_space<vmem>>
    %dma_wait3A_481 = tpu.memref_squeeze %dma_wait3A_480 : memref<1x128x64xf32, #tpu.memory_space<vmem>> -> memref<128x64xf32, #tpu.memory_space<vmem>>
    %dma_wait3A_482 = arith.constant 25216 : i32
    %dma_wait3A_483 = tpu.memref_slice %arg5[%dma_wait3A_482] : memref<25600xi32, #tpu.memory_space<vmem>> -> memref<128xi32, #tpu.memory_space<vmem>>
    %dma_wait3A_484 = arith.constant 0 : i32
    %dma_wait3A_485 = arith.constant 0 : i32
    %dma_wait3A_486 = tpu.memref_slice %arg2[%dma_wait3A_484, %dma_wait3A_485] : memref<1000000x64xf32, #tpu.memory_space<hbm>> -> memref<1000000x64xf32, #tpu.memory_space<hbm>>
    tpu.wait_indirect_dma semaphore(%arg8 : memref<!tpu.dma_semaphore, #tpu.memory_space<semaphore_mem>>) src(%dma_wait3A_486 : memref<1000000x64xf32, #tpu.memory_space<hbm>>) dst(%dma_wait3A_481 : memref<128x64xf32, #tpu.memory_space<vmem>>)
    %dma_wait3A_487 = arith.constant 1 : i32
    %dma_wait3A_488 = arith.constant 256 : i32
    %dma_wait3A_489 = arith.constant 0 : i32
    %dma_wait3A_490 = tpu.memref_slice %arg6[%dma_wait3A_487, %dma_wait3A_488, %dma_wait3A_489] : memref<3x512x64xf32, #tpu.memory_space<vmem>> -> memref<1x128x64xf32, #tpu.memory_space<vmem>>
    %dma_wait3A_491 = tpu.memref_squeeze %dma_wait3A_490 : memref<1x128x64xf32, #tpu.memory_space<vmem>> -> memref<128x64xf32, #tpu.memory_space<vmem>>
    %dma_wait3A_492 = arith.constant 25344 : i32
    %dma_wait3A_493 = tpu.memref_slice %arg5[%dma_wait3A_492] : memref<25600xi32, #tpu.memory_space<vmem>> -> memref<128xi32, #tpu.memory_space<vmem>>
    %dma_wait3A_494 = arith.constant 0 : i32
    %dma_wait3A_495 = arith.constant 0 : i32
    %dma_wait3A_496 = tpu.memref_slice %arg2[%dma_wait3A_494, %dma_wait3A_495] : memref<1000000x64xf32, #tpu.memory_space<hbm>> -> memref<1000000x64xf32, #tpu.memory_space<hbm>>
    tpu.wait_indirect_dma semaphore(%arg8 : memref<!tpu.dma_semaphore, #tpu.memory_space<semaphore_mem>>) src(%dma_wait3A_496 : memref<1000000x64xf32, #tpu.memory_space<hbm>>) dst(%dma_wait3A_491 : memref<128x64xf32, #tpu.memory_space<vmem>>)
    %dma_wait3A_497 = arith.constant 1 : i32
    %dma_wait3A_498 = arith.constant 384 : i32
    %dma_wait3A_499 = arith.constant 0 : i32
    %dma_wait3A_500 = tpu.memref_slice %arg6[%dma_wait3A_497, %dma_wait3A_498, %dma_wait3A_499] : memref<3x512x64xf32, #tpu.memory_space<vmem>> -> memref<1x128x64xf32, #tpu.memory_space<vmem>>
    %dma_wait3A_501 = tpu.memref_squeeze %dma_wait3A_500 : memref<1x128x64xf32, #tpu.memory_space<vmem>> -> memref<128x64xf32, #tpu.memory_space<vmem>>
    %dma_wait3A_502 = arith.constant 25472 : i32
    %dma_wait3A_503 = tpu.memref_slice %arg5[%dma_wait3A_502] : memref<25600xi32, #tpu.memory_space<vmem>> -> memref<128xi32, #tpu.memory_space<vmem>>
    %dma_wait3A_504 = arith.constant 0 : i32
    %dma_wait3A_505 = arith.constant 0 : i32
    %dma_wait3A_506 = tpu.memref_slice %arg2[%dma_wait3A_504, %dma_wait3A_505] : memref<1000000x64xf32, #tpu.memory_space<hbm>> -> memref<1000000x64xf32, #tpu.memory_space<hbm>>
    tpu.wait_indirect_dma semaphore(%arg8 : memref<!tpu.dma_semaphore, #tpu.memory_space<semaphore_mem>>) src(%dma_wait3A_506 : memref<1000000x64xf32, #tpu.memory_space<hbm>>) dst(%dma_wait3A_501 : memref<128x64xf32, #tpu.memory_space<vmem>>)
    %mul3A_507 = arith.constant 25600 : i32
    %mul3A_508 = arith.muli %add3A, %mul3A_507 : i32
    %add3A_509 = arith.constant 25088 : i32
    %add3A_510 = arith.addi %mul3A_508, %add3A_509 : i32
    %dma_start3A_511 = arith.constant 1 : i32
    %dma_start3A_512 = arith.constant 0 : i32
    %dma_start3A_513 = arith.constant 0 : i32
    %dma_start3A_514 = tpu.memref_slice %arg6[%dma_start3A_511, %dma_start3A_512, %dma_start3A_513] : memref<3x512x64xf32, #tpu.memory_space<vmem>> -> memref<1x512x64xf32, #tpu.memory_space<vmem>>
    %dma_start3A_515 = tpu.memref_squeeze %dma_start3A_514 : memref<1x512x64xf32, #tpu.memory_space<vmem>> -> memref<512x64xf32, #tpu.memory_space<vmem>>
    %dma_start3A_516 = arith.constant 0 : i32
    %dma_start3A_517 = tpu.memref_slice %arg4[%add3A_510, %dma_start3A_516] : memref<819200x128xf32, #tpu.memory_space<hbm>> -> memref<512x64xf32, #tpu.memory_space<hbm>>
    %dma_start3A_518 = arith.constant 0 : i32
    %dma_start3A_519 = tpu.memref_slice %arg4[%add3A_510, %dma_start3A_518] : memref<819200x128xf32, #tpu.memory_space<hbm>> -> memref<512x64xf32, #tpu.memory_space<hbm>>
    %dma_start3A_520 = arith.constant 0 : i32
    %dma_start3A_521 = arith.constant 0 : i32
    %dma_start3A_522 = tpu.memref_slice %arg6[%dma_start3A_511, %dma_start3A_520, %dma_start3A_521] : memref<3x512x64xf32, #tpu.memory_space<vmem>> -> memref<1x512x64xf32, #tpu.memory_space<vmem>>
    %dma_start3A_523 = tpu.memref_squeeze %dma_start3A_522 : memref<1x512x64xf32, #tpu.memory_space<vmem>> -> memref<512x64xf32, #tpu.memory_space<vmem>>
    tpu.enqueue_dma source(%dma_start3A_523 : memref<512x64xf32, #tpu.memory_space<vmem>>) target(%dma_start3A_519 : memref<512x64xf32, #tpu.memory_space<hbm>>) target_semaphore(%arg11 : memref<!tpu.dma_semaphore, #tpu.memory_space<semaphore_mem>>)
    %mul3A_524 = arith.constant 25600 : i32
    %mul3A_525 = arith.muli %add3A, %mul3A_524 : i32
    %add3A_526 = arith.constant 24064 : i32
    %add3A_527 = arith.addi %mul3A_525, %add3A_526 : i32
    %dma_wait3A_528 = arith.constant 2 : i32
    %dma_wait3A_529 = arith.constant 0 : i32
    %dma_wait3A_530 = arith.constant 0 : i32
    %dma_wait3A_531 = tpu.memref_slice %arg6[%dma_wait3A_528, %dma_wait3A_529, %dma_wait3A_530] : memref<3x512x64xf32, #tpu.memory_space<vmem>> -> memref<1x512x64xf32, #tpu.memory_space<vmem>>
    %dma_wait3A_532 = tpu.memref_squeeze %dma_wait3A_531 : memref<1x512x64xf32, #tpu.memory_space<vmem>> -> memref<512x64xf32, #tpu.memory_space<vmem>>
    %dma_wait3A_533 = arith.constant 0 : i32
    %dma_wait3A_534 = tpu.memref_slice %arg4[%add3A_527, %dma_wait3A_533] : memref<819200x128xf32, #tpu.memory_space<hbm>> -> memref<512x64xf32, #tpu.memory_space<hbm>>
    %dma_wait3A_535 = arith.constant 0 : i32
    %dma_wait3A_536 = tpu.memref_slice %arg4[%add3A_527, %dma_wait3A_535] : memref<819200x128xf32, #tpu.memory_space<hbm>> -> memref<512x64xf32, #tpu.memory_space<hbm>>
    %dma_wait3A_537 = arith.constant 0 : i32
    %dma_wait3A_538 = arith.constant 0 : i32
    %dma_wait3A_539 = tpu.memref_slice %arg6[%dma_wait3A_528, %dma_wait3A_537, %dma_wait3A_538] : memref<3x512x64xf32, #tpu.memory_space<vmem>> -> memref<1x512x64xf32, #tpu.memory_space<vmem>>
    %dma_wait3A_540 = tpu.memref_squeeze %dma_wait3A_539 : memref<1x512x64xf32, #tpu.memory_space<vmem>> -> memref<512x64xf32, #tpu.memory_space<vmem>>
    tpu.wait_dma2 semaphore(%arg12 : memref<!tpu.dma_semaphore, #tpu.memory_space<semaphore_mem>>) src(%dma_wait3A_540 : memref<512x64xf32, #tpu.memory_space<vmem>>) dst(%dma_wait3A_536 : memref<512x64xf32, #tpu.memory_space<hbm>>)
    %mul3A_541 = arith.constant 25600 : i32
    %mul3A_542 = arith.muli %add3A, %mul3A_541 : i32
    %add3A_543 = arith.constant 24576 : i32
    %add3A_544 = arith.addi %mul3A_542, %add3A_543 : i32
    %dma_wait3A_545 = arith.constant 0 : i32
    %dma_wait3A_546 = arith.constant 0 : i32
    %dma_wait3A_547 = arith.constant 0 : i32
    %dma_wait3A_548 = tpu.memref_slice %arg6[%dma_wait3A_545, %dma_wait3A_546, %dma_wait3A_547] : memref<3x512x64xf32, #tpu.memory_space<vmem>> -> memref<1x512x64xf32, #tpu.memory_space<vmem>>
    %dma_wait3A_549 = tpu.memref_squeeze %dma_wait3A_548 : memref<1x512x64xf32, #tpu.memory_space<vmem>> -> memref<512x64xf32, #tpu.memory_space<vmem>>
    %dma_wait3A_550 = arith.constant 0 : i32
    %dma_wait3A_551 = tpu.memref_slice %arg4[%add3A_544, %dma_wait3A_550] : memref<819200x128xf32, #tpu.memory_space<hbm>> -> memref<512x64xf32, #tpu.memory_space<hbm>>
    %dma_wait3A_552 = arith.constant 0 : i32
    %dma_wait3A_553 = tpu.memref_slice %arg4[%add3A_544, %dma_wait3A_552] : memref<819200x128xf32, #tpu.memory_space<hbm>> -> memref<512x64xf32, #tpu.memory_space<hbm>>
    %dma_wait3A_554 = arith.constant 0 : i32
    %dma_wait3A_555 = arith.constant 0 : i32
    %dma_wait3A_556 = tpu.memref_slice %arg6[%dma_wait3A_545, %dma_wait3A_554, %dma_wait3A_555] : memref<3x512x64xf32, #tpu.memory_space<vmem>> -> memref<1x512x64xf32, #tpu.memory_space<vmem>>
    %dma_wait3A_557 = tpu.memref_squeeze %dma_wait3A_556 : memref<1x512x64xf32, #tpu.memory_space<vmem>> -> memref<512x64xf32, #tpu.memory_space<vmem>>
    tpu.wait_dma2 semaphore(%arg10 : memref<!tpu.dma_semaphore, #tpu.memory_space<semaphore_mem>>) src(%dma_wait3A_557 : memref<512x64xf32, #tpu.memory_space<vmem>>) dst(%dma_wait3A_553 : memref<512x64xf32, #tpu.memory_space<hbm>>)
    %mul3A_558 = arith.constant 25600 : i32
    %mul3A_559 = arith.muli %add3A, %mul3A_558 : i32
    %add3A_560 = arith.constant 25088 : i32
    %add3A_561 = arith.addi %mul3A_559, %add3A_560 : i32
    %dma_wait3A_562 = arith.constant 1 : i32
    %dma_wait3A_563 = arith.constant 0 : i32
    %dma_wait3A_564 = arith.constant 0 : i32
    %dma_wait3A_565 = tpu.memref_slice %arg6[%dma_wait3A_562, %dma_wait3A_563, %dma_wait3A_564] : memref<3x512x64xf32, #tpu.memory_space<vmem>> -> memref<1x512x64xf32, #tpu.memory_space<vmem>>
    %dma_wait3A_566 = tpu.memref_squeeze %dma_wait3A_565 : memref<1x512x64xf32, #tpu.memory_space<vmem>> -> memref<512x64xf32, #tpu.memory_space<vmem>>
    %dma_wait3A_567 = arith.constant 0 : i32
    %dma_wait3A_568 = tpu.memref_slice %arg4[%add3A_561, %dma_wait3A_567] : memref<819200x128xf32, #tpu.memory_space<hbm>> -> memref<512x64xf32, #tpu.memory_space<hbm>>
    %dma_wait3A_569 = arith.constant 0 : i32
    %dma_wait3A_570 = tpu.memref_slice %arg4[%add3A_561, %dma_wait3A_569] : memref<819200x128xf32, #tpu.memory_space<hbm>> -> memref<512x64xf32, #tpu.memory_space<hbm>>
    %dma_wait3A_571 = arith.constant 0 : i32
    %dma_wait3A_572 = arith.constant 0 : i32
    %dma_wait3A_573 = tpu.memref_slice %arg6[%dma_wait3A_562, %dma_wait3A_571, %dma_wait3A_572] : memref<3x512x64xf32, #tpu.memory_space<vmem>> -> memref<1x512x64xf32, #tpu.memory_space<vmem>>
    %dma_wait3A_574 = tpu.memref_squeeze %dma_wait3A_573 : memref<1x512x64xf32, #tpu.memory_space<vmem>> -> memref<512x64xf32, #tpu.memory_space<vmem>>
    tpu.wait_dma2 semaphore(%arg11 : memref<!tpu.dma_semaphore, #tpu.memory_space<semaphore_mem>>) src(%dma_wait3A_574 : memref<512x64xf32, #tpu.memory_space<vmem>>) dst(%dma_wait3A_570 : memref<512x64xf32, #tpu.memory_space<hbm>>)
    return
  }
}

</mosaic_0001>

<sc_bundles>
// kernel: _sc_gather.3.cloned.1.call-start
scs
__scs_entry_jumppad:
0x0: {  	(pc) =	sbr.rel $0x88, $3  }
0x1: {  	(tag) =	ssettag $0x0;
	lr =	simm.s32 $0x1  }
0x2: {  	[smem:$0x3F9F] =	sst lr;
	_ =	strace $0xD0000000  }
0x3: {  	_ = 	snop  }
0x4: {  	_ = 	snop  }
0x5: {  	_ = 	snop  }
0x6: {  	_ = 	snop  }
0x7: {  	_ = 	snop  }
__scs_overlays_trampoline_lowered:
0x8: {  	[smem:$0x3FAE] =	sst s0  }
0x9: {  	[smem:$0x3FAF] =	sst s1  }
0xa: {  	[smem:$0x3FB0] =	sst s2  }
0xb: {  	[smem:$0x3FB1] =	sst s3  }
0xc: {  	[smem:$0x3FB2] =	sst s4  }
0xd: {  	[smem:$0x3FB3] =	sst s5  }
0xe: {  	[smem:$0x3FB4] =	sst s6  }
0xf: {  	[smem:$0x3FB5] =	sst s7  }
0x10: {  	[smem:$0x3FB6] =	sst s8  }
0x11: {  	[smem:$0x3FB7] =	sst s9;
	s0 =	simm.s32 @!p0 $0x0  }
0x12: {  	s1 =	sld [smem:$0x3F9D];
	s0 =	simm.s32 @p0 $0x1  }
0x13: {  	[smem:$0x3FB8] =	sst s0;
	s0 =	simm.s32 @!p1 $0x0  }
0x14: {  	s2 =	sld [smem:$0x3F9C];
	s0 =	simm.s32 @p1 $0x1  }
0x15: {  	[smem:$0x3FB9] =	sst s0;
	s0 =	simm.s32 @!p2 $0x0  }
0x16: {  	s3 =	sld [smem:$0x3FDB];
	s0 =	simm.s32 @p2 $0x1  }
0x17: {  	s4 =	simm.s32 $0x1BF5;
	[smem:$0x3FBB] =	sst s0  }
0x18: {  	s0 =	sld [smem:$0x3F9E];
	_ =	swait.ge [sflag:s4], $0x0  }
0x19: {  	s7 =	sld [smem:$0x3F9F]  }
0x1a: {  	s8 =	sadd.s32 $0xFFFFE003, lr  }
0x1b: {  	s9 =	sadd.s32 $0xFFFFFEF7, lr;
	s5 =	simm.s32 $0xFFFFFFFF;
	p2 =	slt.u32 s8, $0xFFFFF086  }
0x1c: {  	p1 =	slt.u32 s9, $0xF7A;
	s5 =	simm.s32 @!p2 $0x0  }
0x1d: {  	s5 =	simm.s32 @p1 $0x1;
	p0 =	seq.s32 s7, s2  }
0x1e: {  	s7 =	smul.u32 @!p0 $0xF7A, s2;
	p2 =	seq.s32 @!p0 s5, $0x0  }
0x1f: {  	s9 =	smul.u32 $0xF7A, s1;
	s8 =	simm.s32 @!p0 $0x1BF5;
	p2 =	por !p2, p0  }
0x20: {  	[sflag:s8] =	ssyncset.s32 @!p0 $0xFFFFF086;
	s6 =	sadd.s32 @!p0 s3, s7;
	s7 =	simm.s32 @!p0 $0x108  }
0x21: {  	s3 =	sadd.s32 s3, s9;
	s6 =	sadd.s32 @!p0 $0x88, s6;
	s7 =	simm.s32 @p2 $0x1082  }
0x22: {  	[simem:s7], [sflag:s8] =	dma.local @!p0 [hbm:s6], $0xF7A  }
0x23: {  	s9 =	sor.u32 $0xD0000000, s2;
	s6 =	simm.s32 $0x108;
	_ =	swait.ge @!p0 [sflag:s8], $0x0  }
0x24: {  	s3 =	sadd.s32 $0x88, s3;
	s6 =	simm.s32 @!p1 $0x1082;
	[sflag:s4] =	ssyncset.s32 $0xFFFFF086  }
0x25: {  	[simem:s6], [sflag:s4] =	dma.local [hbm:s3], $0xF7A  }
0x26: {  	[smem:$0x3F9F] =	sst s1;
	(tag) =	ssettag s2;
	_ =	strace s9  }
0x27: {  	s1 =	sld [smem:$0x3FAF]  }
0x28: {  	s2 =	sld [smem:$0x3FB0]  }
0x29: {  	s4 =	sld [smem:$0x3FB2]  }
0x2a: {  	p0 =	seq.s32 s5, $0x0;
	s5 =	sld [smem:$0x3FB3]  }
0x2b: {  	s6 =	sld [smem:$0x3FB4]  }
0x2c: {  	s7 =	sld [smem:$0x3FB5]  }
0x2d: {  	s3 =	simm.s32 $0x108;
	s8 =	sld [smem:$0x3FB6]  }
0x2e: {  	s3 =	simm.s32 @!p0 $0x1082;
	s9 =	sld [smem:$0x3FB7]  }
0x2f: {  	lr =	sadd.s32 s0, s3;
	s0 =	sld [smem:$0x3FAE]  }
0x30: {  	s3 =	sld [smem:$0x3FB1]  }
0x31: {  	[smem:$0x3FBA] =	sst s10  }
0x32: {  	s10 =	sld [smem:$0x3FB8];
	_ =	sdelay $0x3  }
0x33: {  	p0 =	seq.s32 s10, $0x1;
	s10 =	sld [smem:$0x3FBA];
	_ =	sdelay $0x3  }
0x34: {  	[smem:$0x3FBA] =	sst s10  }
0x35: {  	s10 =	sld [smem:$0x3FB9];
	_ =	sdelay $0x3  }
0x36: {  	p1 =	seq.s32 s10, $0x1;
	s10 =	sld [smem:$0x3FBA];
	_ =	sdelay $0x3  }
0x37: {  	[smem:$0x3FBA] =	sst s10  }
0x38: {  	s10 =	sld [smem:$0x3FBB]  }
0x39: {  	_ = 	snop;
	(pc) =	sbr.ind lr, $3  }
0x3a: {  	_ = 	snop  }
0x3b: {  	_ = 	snop  }
0x3c: {  	p2 =	seq.s32 s10, $0x1;
	s10 =	sld [smem:$0x3FBA]  }
0x3d: {  	_ =	shalt  }
0x3e: {  	_ =	shalt  }
0x3f: {  	_ =	shalt  }
0x40: {  	_ =	shalt  }
0x41: {  	_ =	shalt  }
0x42: {  	_ =	shalt  }
0x43: {  	_ =	shalt  }
0x44: {  	_ =	shalt  }
0x45: {  	_ =	shalt  }
0x46: {  	_ =	shalt  }
0x47: {  	_ =	shalt  }
0x48: {  	_ =	shalt  }
0x49: {  	_ =	shalt  }
0x4a: {  	_ =	shalt  }
0x4b: {  	_ =	shalt  }
0x4c: {  	_ =	shalt  }
0x4d: {  	_ =	shalt  }
0x4e: {  	_ =	shalt  }
0x4f: {  	_ =	shalt  }
0x50: {  	_ =	shalt  }
0x51: {  	_ =	shalt  }
0x52: {  	_ =	shalt  }
0x53: {  	_ =	shalt  }
0x54: {  	_ =	shalt  }
0x55: {  	_ =	shalt  }
0x56: {  	_ =	shalt  }
0x57: {  	_ =	shalt  }
0x58: {  	_ =	shalt  }
0x59: {  	_ =	shalt  }
0x5a: {  	_ =	shalt  }
0x5b: {  	_ =	shalt  }
0x5c: {  	_ =	shalt  }
0x5d: {  	_ =	shalt  }
0x5e: {  	_ =	shalt  }
0x5f: {  	_ =	shalt  }
0x60: {  	_ =	shalt  }
0x61: {  	_ =	shalt  }
0x62: {  	_ =	shalt  }
0x63: {  	_ =	shalt  }
0x64: {  	_ =	shalt  }
0x65: {  	_ =	shalt  }
0x66: {  	_ =	shalt  }
0x67: {  	_ =	shalt  }
0x68: {  	_ =	shalt  }
0x69: {  	_ =	shalt  }
0x6a: {  	_ =	shalt  }
0x6b: {  	_ =	shalt  }
0x6c: {  	_ =	shalt  }
0x6d: {  	_ =	shalt  }
0x6e: {  	_ =	shalt  }
0x6f: {  	_ =	shalt  }
0x70: {  	_ =	shalt  }
0x71: {  	_ =	shalt  }
0x72: {  	_ =	shalt  }
0x73: {  	_ =	shalt  }
0x74: {  	_ =	shalt  }
0x75: {  	_ =	shalt  }
0x76: {  	_ =	shalt  }
0x77: {  	_ =	shalt  }
0x78: {  	_ =	shalt  }
0x79: {  	_ =	shalt  }
0x7a: {  	_ =	shalt  }
0x7b: {  	_ =	shalt  }
0x7c: {  	_ =	shalt  }
0x7d: {  	_ =	shalt  }
0x7e: {  	_ =	shalt  }
0x7f: {  	_ =	shalt  }
0x80: {  	_ =	shalt  }
0x81: {  	_ =	shalt  }
0x82: {  	_ =	shalt  }
0x83: {  	_ =	shalt  }
0x84: {  	_ =	shalt  }
0x85: {  	_ =	shalt  }
0x86: {  	_ =	shalt  }
0x87: {  	_ =	shalt  }
.Lfunc_end0:
.L_simem_size_0:
called_computation_lowered:
.L_overlay_start_0:
0x88: {  	s2 =	sld [smem:$0x3FD9]  }
0x89: {  	s3 =	sld [smem:$0x3FFE];
	_ =	sdelay $0x1  }
0x8a: {  	s1 =	srdreg.scid  }
0x8b: {  	s0 =	sand.u32 $0x1, s1  }
0x8c: {  	s17 =	sshll.u32 s0, $0xA;
	s2 =	sadd.s32 s3, s2  }
0x8d: {  	s2 =	sadd.s32 s2, s17  }
0x8e: {  	[smem:$0x3FC6] =	sst s2  }
0x8f: {  	_ = 	snop  }
0x90: {  	s2 =	sld [smem:$0x3FD0];
	(tm) =	ssettm $0x1  }
0x91: {  	s18 =	sld [smem:$0x3FFB];
	_ =	sdelay $0x3  }
0x92: {  	_ =	strace s18  }
0x93: {  	s3 =	sld [smem:$0x3FFC];
	_ =	sdelay $0x3  }
0x94: {  	_ =	strace s3  }
0x95: {  	s3 =	sld [smem:$0x3FFD];
	_ =	sdelay $0x3  }
0x96: {  	_ =	strace s3  }
0x97: {  	_ =	strace $0x8FFFFFFF  }
0x98: {  	s19 =	sld [smem:$0x3FDB];
	_ =	sdelay $0x1  }
0x99: {  	s4 =	simm.s32 $_scs_section_size  }
0x9a: {  	s5 =	simm.s32 $_size__tile_overlayer_lowered;
	s6 =	simm.s32 $_tile_overlayer_lowered  }
0x9b: {  	s22 =	simm.s32 $0x1BFF;
	s21 =	sshll.u32 s6, $0x1;
	s3 =	sadd.s32 s4, s19  }
0x9c: {  	s7 =	simm.s32 $0x0;
	s20 =	sshll.u32 s5, $0x1;
	s5 =	sadd.s32 s21, s3  }
0x9d: {  	[timem:s7], [sflag:s22] =	dma.local [hbm:s5], s20  }
0x9e: {  	_ =	swait.ge [sflag:s22], s20  }
0x9f: {  	s4 =	ssub.s32 $0x0, s20;
	[sflag:s22] =	ssyncset.done $0x0  }
0xa0: {  	[sflag:s22] =	ssyncadd.s32 s4;
	_ =	sdelay $0x1  }
0xa1: {  	s23 =	simm.s32 $0x1B8B  }
0xa2: {  	_ =	swait.ge [sflag:s23], $0x1  }
0xa3: {  	[sflag:s23] =	ssyncset.done $0x0  }
0xa4: {  	s25 =	simm.s32 $0x1B8E;
	s24 =	sld [smem:$0x3FFE];
	[sflag:s23] =	ssyncadd.s32 $0xFFFFFFFF  }
0xa5: {  	s26 =	simm.s32 $execute0_lowered;
	[smem:$0x3FD2] =	sst s25  }
0xa6: {  	s5 =	sshll.u32 s26, $0x1;
	_ =	strace $0x80000046;
	[dreg:$0x1] =	wrdreg $0xFFFFFFFF  }
0xa7: {  	s28 =	simm.s32 $_size_execute0_lowered;
	s3 =	sadd.s32 s3, s5;
	[dreg:$0x0] =	wrdreg $0x0  }
0xa8: {  	s5 =	sshll.u32 s28, $0x1;
	[dreg:$0x2] =	wrdreg s3  }
0xa9: {  	[dreg:$0x3] =	wrdreg s5  }
0xaa: {  	[dreg:$0x4] =	wrdreg $0xC0  }
0xab: {  	_ =	task [dreg:s7], $0x5FFFF  }
0xac: {  	[dreg:$0x1] =	wrdreg $0xFFFFFFFF  }
0xad: {  	[dreg:$0x0] =	wrdreg $0x60  }
0xae: {  	[dreg:$0x2] =	wrdreg s24  }
0xaf: {  	[dreg:$0x3] =	wrdreg s2  }
0xb0: {  	[dreg:$0x4] =	wrdreg $0x9  }
0xb1: {  	_ =	task.clear_ibuf [dreg:s7], $0x5FFFF;
	_ =	strace $0x90000046  }
0xb2: {  	s29 =	simm.s32 $0x9;
	_ =	strace $0x80000048  }
0xb3: {  	_ =	swait.ge [sflag:s29], $0x1  }
0xb4: {  	[sflag:s29] =	ssyncadd.s32 $0xFFFFFFFF  }
0xb5: {  	_ =	strace $0x90000048  }
0xb6: {  	_ =	sfence  }
0xb7: {  	s30 =	sld [smem:$0x0];
	_ =	sdelay $0x2  }
0xb8: {  	s31 =	sshll.u32 s1, $0xD;
	s1 =	sshrl.u32 s1, $0x2  }
0xb9: {  	s3 =	sand.u32 $0x4000, s31;
	s1 =	sadd.s32 s1, s30  }
0xba: {  	s0 =	sor.u32 s3, s0;
	s1 =	sshll.u32 s1, $0x11  }
0xbb: {  	s0 =	sor.u32 s1, s0  }
0xbc: {  	s0 =	sadd.s32 $0x8F2B, s0  }
0xbd: {  	[sflag:s0] =	ssyncadd.remote.s32 $0x1  }
0xbe: {  	_ =	sfence.sel $0xFFFF  }
0xbf: {  	[dreg:$0x0] =	wrdreg $0xFFFFFFFF;
	(pc) =	sbr.abs _section_cstart, $3  }
0xc0: {  	[dreg:$0x1] =	wrdreg $0xFFFFFFFF  }
0xc1: {  	_ =	task.clear_ibuf [dreg:s7], $0x2FFFF;
	_ =	strace $0x9FFFFFFF  }
0xc2: {  	(tm) =	ssettm $0x7FFFFFFF  }
0xc3: {  	_ =	shalt  }
tec
execute0_lowered:
.L_overlay_start_1:
0x0: {  	(tag) =	ssettag $0x1  }
0x1: {  	s0 =	srdreg.scid;
	s1 =	rddreg [dreg:$0x0]  }
0x2: {  	s7 =	stileid.u32;
	s4 =	rddreg [dreg:$0x1];
	s5 =	simm.s32 $0x0  }
0x3: {  	s15 =	simm.s32 $0x80;
	s16 =	simm.s32 $0x6400;
	s17 =	simm.s32 $0x8400  }
0x4: {  	s19 =	simm.s32 $0xA400;
	s28 =	simm.s32 $0x12400;
	s30 =	simm.s32 $0x14400  }
0x5: {  	s18 =	simm.s32 $0x18400;
	s29 =	simm.s32 $0x1;
	s31 =	simm.s32 $0x40  }
0x6: {  	s0 =	sand.u32 $0x1, s0;
	s2 =	sshll.u32 s7, $0x1;
	s7 =	smul.u32 $0xC800, s7  }
0x7: {  	s2 =	sor.u32 s0, s2;
	s6 =	ssub.s32 $0x2, s0;
	s0 =	smul.u32 $0x6400, s0  }
0x8: {  	s20 =	simm.s32 $0x4;
	[smem:$0x7FF] =	sst s5;
	s3 =	smul.u32 $0x6400, s2  }
0x9: {  	_ =	strace $0x80000047;
	s21 =	smul.u32 $0x64000, s2;
	s9 =	sshrl.u32 s6, $0x1  }
0xa: {  	s2 =	smul.u32 $0x320000, s2;
	s22 =	ssub.s32 s6, s9;
	s0 =	sadd.s32 s0, s7  }
0xb: {  	s6 =	simm.s32 $0x0;
	s3 =	sshrl.u32 s3, $0x3;
	s5 =	sadd.s32 s4, s21  }
0xc: {  	s2 =	sshrl.u32 s2, $0x3;
	s0 =	sshll.u32 s0, $0x4;
	s21 =	simm.s32 $0xC400  }
0xd: {  	s8 =	sadd.s32 s3, s1;
	s3 =	sadd.s32 $0xF42A00, s1;
	[dreg:$0x4] =	wrdreg s5  }
0xe: {  	s5 =	sadd.s32 $0x2000, s5;
	s2 =	sadd.s32 s4, s2;
	s0 =	sadd.s32 s4, s0  }
0xf: {  	s1 =	smax.u32 s22, $0x1;
	s22 =	simm.s32 $0x1A400;
	[dreg:$0x5] =	wrdreg s5  }
0x10: {  	s4 =	simm.s32 $0x6;
	s23 =	sadd.s32 $0x600, s8;
	[dreg:$0x9] =	wrdreg s1  }
0x11: {  	s24 =	sadd.s32 $0x5E000, s2;
	s25 =	sadd.s32 $0x60000, s2;
	[dreg:$0x3] =	wrdreg s23  }
0x12: {  	s2 =	sadd.s32 $0x62000, s2;
	s26 =	sadd.s32 $0x4000, s0;
	[dreg:$0x6] =	wrdreg s24  }
0x13: {  	s5 =	sadd.s32 $0x8000, s0;
	s13 =	sadd.s32 $0x6000, s0;
	[dreg:$0x7] =	wrdreg s25  }
0x14: {  	s1 =	simm.s32 $0x16400;
	s0 =	simm.s32 $0x2;
	[dreg:$0x8] =	wrdreg s2  }
0x15: {  	[dreg:$0xa] =	wrdreg s26;
	s23 =	simm.s32 $0xE400;
	s25 =	simm.s32 $0x10400  }
0x16: {  	s26 =	simm.s32 $0x1C400;
	s24 =	simm.s32 $0x3;
	s2 =	simm.s32 $0x5  }
.LBB2_1:
0x17: {  	s7 =	simm.s32 $0x0;
	s8 =	rddreg [dreg:$0x3];
	s12 =	simm.s32 $0x7  }
0x18: {  	[tilespmem:s7], [sflag:$0x7] =	stream.linear.gather [hbm4b:s8+s7], $0x6400, $0x38;
	[tilespmem:$0x1E400] =	vst v63  }
0x19: {  	_ =	swait.ge [sflag:s12], $0x6400  }
0x1a: {  	[sflag:s12] =	ssyncset.done $0x0  }
0x1b: {  	[sflag:s12] =	ssyncadd.s32 $0xFFFF9C00  }
0x1c: {  	[tilespmem:s16], [sflag:$0x1] =	stream.indirect.gather [hbm4b:s3+s15], $0x40, s7, s15, $0xb8;
	[tilespmem:$0x1E400] =	vst v63  }
0x1d: {  	_ = 	snop  }
0x1e: {  	[tilespmem:s17], [sflag:$0x1] =	stream.indirect.gather [hbm4b:s3+s15], $0x40, s15, s15, $0xb8;
	[tilespmem:$0x1E400] =	vst v63  }
0x1f: {  	s14 =	simm.s32 $0x100  }
0x20: {  	[tilespmem:s19], [sflag:$0x1] =	stream.indirect.gather [hbm4b:s3+s15], $0x40, s14, s15, $0xb8;
	[tilespmem:$0x1E400] =	vst v63  }
0x21: {  	s8 =	simm.s32 $0x180  }
0x22: {  	[tilespmem:s21], [sflag:$0x1] =	stream.indirect.gather [hbm4b:s3+s15], $0x40, s8, s15, $0xb8;
	[tilespmem:$0x1E400] =	vst v63  }
0x23: {  	s9 =	simm.s32 $0x200  }
0x24: {  	[tilespmem:s23], [sflag:$0x2] =	stream.indirect.gather [hbm4b:s3+s15], $0x40, s9, s15, $0xb8;
	[tilespmem:$0x1E400] =	vst v63  }
0x25: {  	s10 =	simm.s32 $0x280  }
0x26: {  	[tilespmem:s25], [sflag:$0x2] =	stream.indirect.gather [hbm4b:s3+s15], $0x40, s10, s15, $0xb8;
	[tilespmem:$0x1E400] =	vst v63  }
0x27: {  	s11 =	simm.s32 $0x300  }
0x28: {  	[tilespmem:s28], [sflag:$0x2] =	stream.indirect.gather [hbm4b:s3+s15], $0x40, s11, s15, $0xb8;
	[tilespmem:$0x1E400] =	vst v63  }
0x29: {  	s12 =	simm.s32 $0x380  }
0x2a: {  	[tilespmem:s30], [sflag:$0x2] =	stream.indirect.gather [hbm4b:s3+s15], $0x40, s12, s15, $0xb8;
	[tilespmem:$0x1E400] =	vst v63  }
0x2b: {  	s14 =	simm.s32 $0x400  }
0x2c: {  	[tilespmem:s1], [sflag:$0x3] =	stream.indirect.gather [hbm4b:s3+s15], $0x40, s14, s15, $0xb8;
	[tilespmem:$0x1E400] =	vst v63  }
0x2d: {  	s8 =	simm.s32 $0x480  }
0x2e: {  	[tilespmem:s18], [sflag:$0x3] =	stream.indirect.gather [hbm4b:s3+s15], $0x40, s8, s15, $0xb8;
	[tilespmem:$0x1E400] =	vst v63  }
0x2f: {  	s9 =	simm.s32 $0x500  }
0x30: {  	[tilespmem:s22], [sflag:$0x3] =	stream.indirect.gather [hbm4b:s3+s15], $0x40, s9, s15, $0xb8;
	[tilespmem:$0x1E400] =	vst v63  }
0x31: {  	s10 =	simm.s32 $0x580  }
0x32: {  	[tilespmem:s26], [sflag:$0x3] =	stream.indirect.gather [hbm4b:s3+s15], $0x40, s10, s15, $0xb8;
	[tilespmem:$0x1E400] =	vst v63  }
0x33: {  	_ =	swait.ge [sflag:s29], $0x2000  }
0x34: {  	[sflag:s29] =	ssyncset.done $0x0  }
0x35: {  	[sflag:s29] =	ssyncadd.s32 $0xFFFFE000  }
0x36: {  	_ =	swait.ge [sflag:s29], $0x2000  }
0x37: {  	[sflag:s29] =	ssyncset.done $0x0  }
0x38: {  	[sflag:s29] =	ssyncadd.s32 $0xFFFFE000  }
0x39: {  	_ =	swait.ge [sflag:s29], $0x2000  }
0x3a: {  	[sflag:s29] =	ssyncset.done $0x0  }
0x3b: {  	[sflag:s29] =	ssyncadd.s32 $0xFFFFE000  }
0x3c: {  	_ =	swait.ge [sflag:s29], $0x2000  }
0x3d: {  	[sflag:s29] =	ssyncset.done $0x0  }
0x3e: {  	s11 =	rddreg [dreg:$0x4];
	[sflag:s29] =	ssyncadd.s32 $0xFFFFE000  }
0x3f: {  	[hbm4b:s11+s31] =	stream.strided.scatter [tilespmem:s16], [sflag:$0x4], $0x8000, s15, s31, $0x38;
	[tilespmem:$0x1E400] =	vst v63  }
0x40: {  	_ =	swait.ge [sflag:s0], $0x2000  }
0x41: {  	[sflag:s0] =	ssyncset.done $0x0  }
0x42: {  	[sflag:s0] =	ssyncadd.s32 $0xFFFFE000  }
0x43: {  	_ =	swait.ge [sflag:s0], $0x2000  }
0x44: {  	[sflag:s0] =	ssyncset.done $0x0  }
0x45: {  	[sflag:s0] =	ssyncadd.s32 $0xFFFFE000  }
0x46: {  	_ =	swait.ge [sflag:s0], $0x2000  }
0x47: {  	[sflag:s0] =	ssyncset.done $0x0  }
0x48: {  	[sflag:s0] =	ssyncadd.s32 $0xFFFFE000  }
0x49: {  	_ =	swait.ge [sflag:s0], $0x2000  }
0x4a: {  	[sflag:s0] =	ssyncset.done $0x0  }
0x4b: {  	s12 =	rddreg [dreg:$0x5];
	[sflag:s0] =	ssyncadd.s32 $0xFFFFE000  }
0x4c: {  	[hbm4b:s12+s31] =	stream.strided.scatter [tilespmem:s23], [sflag:$0x5], $0x8000, s15, s31, $0x38;
	[tilespmem:$0x1E400] =	vst v63  }
0x4d: {  	_ =	swait.ge [sflag:s20], $0x8000  }
0x4e: {  	[sflag:s20] =	ssyncset.done $0x0  }
0x4f: {  	s14 =	simm.s32 $0x600;
	[sflag:s20] =	ssyncadd.s32 $0xFFFF8000  }
0x50: {  	[tilespmem:s16], [sflag:$0x1] =	stream.indirect.gather [hbm4b:s3+s15], $0x40, s14, s15, $0xb8;
	[tilespmem:$0x1E400] =	vst v63  }
0x51: {  	s8 =	simm.s32 $0x680  }
0x52: {  	[tilespmem:s17], [sflag:$0x1] =	stream.indirect.gather [hbm4b:s3+s15], $0x40, s8, s15, $0xb8;
	[tilespmem:$0x1E400] =	vst v63  }
0x53: {  	s9 =	simm.s32 $0x700  }
0x54: {  	[tilespmem:s19], [sflag:$0x1] =	stream.indirect.gather [hbm4b:s3+s15], $0x40, s9, s15, $0xb8;
	[tilespmem:$0x1E400] =	vst v63  }
0x55: {  	s10 =	simm.s32 $0x780  }
0x56: {  	[tilespmem:s21], [sflag:$0x1] =	stream.indirect.gather [hbm4b:s3+s15], $0x40, s10, s15, $0xb8;
	[tilespmem:$0x1E400] =	vst v63  }
0x57: {  	_ =	swait.ge [sflag:s24], $0x2000  }
0x58: {  	[sflag:s24] =	ssyncset.done $0x0  }
0x59: {  	[sflag:s24] =	ssyncadd.s32 $0xFFFFE000  }
0x5a: {  	_ =	swait.ge [sflag:s24], $0x2000  }
0x5b: {  	[sflag:s24] =	ssyncset.done $0x0  }
0x5c: {  	[sflag:s24] =	ssyncadd.s32 $0xFFFFE000  }
0x5d: {  	_ =	swait.ge [sflag:s24], $0x2000  }
0x5e: {  	[sflag:s24] =	ssyncset.done $0x0  }
0x5f: {  	[sflag:s24] =	ssyncadd.s32 $0xFFFFE000  }
0x60: {  	_ =	swait.ge [sflag:s24], $0x2000  }
0x61: {  	[sflag:s24] =	ssyncset.done $0x0  }
0x62: {  	s9 =	rddreg [dreg:$0xa];
	[sflag:s24] =	ssyncadd.s32 $0xFFFFE000  }
0x63: {  	[hbm4b:s9+s31] =	stream.strided.scatter [tilespmem:s1], [sflag:$0x6], $0x8000, s15, s31, $0x38;
	[tilespmem:$0x1E400] =	vst v63  }
0x64: {  	_ =	swait.ge [sflag:s2], $0x8000  }
0x65: {  	[sflag:s2] =	ssyncset.done $0x0  }
0x66: {  	s11 =	simm.s32 $0x800;
	[sflag:s2] =	ssyncadd.s32 $0xFFFF8000  }
0x67: {  	[tilespmem:s23], [sflag:$0x2] =	stream.indirect.gather [hbm4b:s3+s15], $0x40, s11, s15, $0xb8;
	[tilespmem:$0x1E400] =	vst v63  }
0x68: {  	s12 =	simm.s32 $0x880  }
0x69: {  	[tilespmem:s25], [sflag:$0x2] =	stream.indirect.gather [hbm4b:s3+s15], $0x40, s12, s15, $0xb8;
	[tilespmem:$0x1E400] =	vst v63  }
0x6a: {  	s14 =	simm.s32 $0x900  }
0x6b: {  	[tilespmem:s28], [sflag:$0x2] =	stream.indirect.gather [hbm4b:s3+s15], $0x40, s14, s15, $0xb8;
	[tilespmem:$0x1E400] =	vst v63  }
0x6c: {  	s8 =	simm.s32 $0x980  }
0x6d: {  	[tilespmem:s30], [sflag:$0x2] =	stream.indirect.gather [hbm4b:s3+s15], $0x40, s8, s15, $0xb8;
	[tilespmem:$0x1E400] =	vst v63  }
0x6e: {  	_ =	swait.ge [sflag:s29], $0x2000  }
0x6f: {  	[sflag:s29] =	ssyncset.done $0x0  }
0x70: {  	[sflag:s29] =	ssyncadd.s32 $0xFFFFE000  }
0x71: {  	_ =	swait.ge [sflag:s29], $0x2000  }
0x72: {  	[sflag:s29] =	ssyncset.done $0x0  }
0x73: {  	[sflag:s29] =	ssyncadd.s32 $0xFFFFE000  }
0x74: {  	_ =	swait.ge [sflag:s29], $0x2000  }
0x75: {  	[sflag:s29] =	ssyncset.done $0x0  }
0x76: {  	[sflag:s29] =	ssyncadd.s32 $0xFFFFE000  }
0x77: {  	_ =	swait.ge [sflag:s29], $0x2000  }
0x78: {  	[sflag:s29] =	ssyncset.done $0x0  }
0x79: {  	[sflag:s29] =	ssyncadd.s32 $0xFFFFE000  }
0x7a: {  	[hbm4b:s13+s31] =	stream.strided.scatter [tilespmem:s16], [sflag:$0x4], $0x8000, s15, s31, $0x38;
	[tilespmem:$0x1E400] =	vst v63  }
0x7b: {  	_ =	swait.ge [sflag:s4], $0x8000  }
0x7c: {  	[sflag:s4] =	ssyncset.done $0x0  }
0x7d: {  	s10 =	simm.s32 $0xA00;
	[sflag:s4] =	ssyncadd.s32 $0xFFFF8000  }
0x7e: {  	[tilespmem:s1], [sflag:$0x3] =	stream.indirect.gather [hbm4b:s3+s15], $0x40, s10, s15, $0xb8;
	[tilespmem:$0x1E400] =	vst v63  }
0x7f: {  	s11 =	simm.s32 $0xA80  }
0x80: {  	[tilespmem:s18], [sflag:$0x3] =	stream.indirect.gather [hbm4b:s3+s15], $0x40, s11, s15, $0xb8;
	[tilespmem:$0x1E400] =	vst v63  }
0x81: {  	s12 =	simm.s32 $0xB00  }
0x82: {  	[tilespmem:s22], [sflag:$0x3] =	stream.indirect.gather [hbm4b:s3+s15], $0x40, s12, s15, $0xb8;
	[tilespmem:$0x1E400] =	vst v63  }
0x83: {  	s14 =	simm.s32 $0xB80  }
0x84: {  	[tilespmem:s26], [sflag:$0x3] =	stream.indirect.gather [hbm4b:s3+s15], $0x40, s14, s15, $0xb8;
	[tilespmem:$0x1E400] =	vst v63  }
0x85: {  	_ =	swait.ge [sflag:s0], $0x2000  }
0x86: {  	[sflag:s0] =	ssyncset.done $0x0  }
0x87: {  	[sflag:s0] =	ssyncadd.s32 $0xFFFFE000  }
0x88: {  	_ =	swait.ge [sflag:s0], $0x2000  }
0x89: {  	[sflag:s0] =	ssyncset.done $0x0  }
0x8a: {  	[sflag:s0] =	ssyncadd.s32 $0xFFFFE000  }
0x8b: {  	_ =	swait.ge [sflag:s0], $0x2000  }
0x8c: {  	[sflag:s0] =	ssyncset.done $0x0  }
0x8d: {  	[sflag:s0] =	ssyncadd.s32 $0xFFFFE000  }
0x8e: {  	s7 =	simm.s32 $0x1800;
	_ =	swait.ge [sflag:s0], $0x2000  }
0x8f: {  	s9 =	sadd.s32 $0x6000, s9;
	s8 =	sadd.s32 $0x6000, s13;
	[sflag:s0] =	ssyncset.done $0x0  }
0x90: {  	s10 =	sadd.s32 $0x6000, s5;
	s12 =	smov.u32 s5;
	[sflag:s0] =	ssyncadd.s32 $0xFFFFE000  }
.LBB2_2:
0x91: {  	[hbm4b:s12+s31] =	stream.strided.scatter [tilespmem:s23], [sflag:$0x5], $0x8000, s15, s31, $0x38;
	[tilespmem:$0x1E400] =	vst v63  }
0x92: {  	s14 =	smov.u32 s7;
	s12 =	smov.u32 s10  }
0x93: {  	p0 =	sne.s32 s7, $0x15000;
	s7 =	sadd.s32 $0x1800, s7;
	_ =	swait.ge [sflag:s20], $0x8000  }
0x94: {  	s14 =	sshra.s32 s14, $0x2;
	[sflag:s20] =	ssyncset.done $0x0  }
0x95: {  	s11 =	sadd.s32 $0x600, s14;
	[sflag:s20] =	ssyncadd.s32 $0xFFFF8000  }
0x96: {  	[tilespmem:s16], [sflag:$0x1] =	stream.indirect.gather [hbm4b:s3+s15], $0x40, s11, s15, $0xb8;
	[tilespmem:$0x1E400] =	vst v63  }
0x97: {  	s11 =	sadd.s32 $0x680, s14  }
0x98: {  	[tilespmem:s17], [sflag:$0x1] =	stream.indirect.gather [hbm4b:s3+s15], $0x40, s11, s15, $0xb8;
	[tilespmem:$0x1E400] =	vst v63  }
0x99: {  	s11 =	sadd.s32 $0x700, s14  }
0x9a: {  	[tilespmem:s19], [sflag:$0x1] =	stream.indirect.gather [hbm4b:s3+s15], $0x40, s11, s15, $0xb8;
	[tilespmem:$0x1E400] =	vst v63  }
0x9b: {  	s11 =	sadd.s32 $0x780, s14  }
0x9c: {  	[tilespmem:s21], [sflag:$0x1] =	stream.indirect.gather [hbm4b:s3+s15], $0x40, s11, s15, $0xb8;
	[tilespmem:$0x1E400] =	vst v63  }
0x9d: {  	_ =	swait.ge [sflag:s24], $0x2000  }
0x9e: {  	[sflag:s24] =	ssyncset.done $0x0  }
0x9f: {  	[sflag:s24] =	ssyncadd.s32 $0xFFFFE000  }
0xa0: {  	_ =	swait.ge [sflag:s24], $0x2000  }
0xa1: {  	[sflag:s24] =	ssyncset.done $0x0  }
0xa2: {  	[sflag:s24] =	ssyncadd.s32 $0xFFFFE000  }
0xa3: {  	_ =	swait.ge [sflag:s24], $0x2000  }
0xa4: {  	[sflag:s24] =	ssyncset.done $0x0  }
0xa5: {  	[sflag:s24] =	ssyncadd.s32 $0xFFFFE000  }
0xa6: {  	_ =	swait.ge [sflag:s24], $0x2000  }
0xa7: {  	[sflag:s24] =	ssyncset.done $0x0  }
0xa8: {  	[sflag:s24] =	ssyncadd.s32 $0xFFFFE000  }
0xa9: {  	[hbm4b:s9+s31] =	stream.strided.scatter [tilespmem:s1], [sflag:$0x6], $0x8000, s15, s31, $0x38;
	[tilespmem:$0x1E400] =	vst v63  }
0xaa: {  	_ =	swait.ge [sflag:s2], $0x8000  }
0xab: {  	[sflag:s2] =	ssyncset.done $0x0  }
0xac: {  	s11 =	sadd.s32 $0x800, s14;
	[sflag:s2] =	ssyncadd.s32 $0xFFFF8000  }
0xad: {  	[tilespmem:s23], [sflag:$0x2] =	stream.indirect.gather [hbm4b:s3+s15], $0x40, s11, s15, $0xb8;
	[tilespmem:$0x1E400] =	vst v63  }
0xae: {  	s11 =	sadd.s32 $0x880, s14  }
0xaf: {  	[tilespmem:s25], [sflag:$0x2] =	stream.indirect.gather [hbm4b:s3+s15], $0x40, s11, s15, $0xb8;
	[tilespmem:$0x1E400] =	vst v63  }
0xb0: {  	s11 =	sadd.s32 $0x900, s14  }
0xb1: {  	[tilespmem:s28], [sflag:$0x2] =	stream.indirect.gather [hbm4b:s3+s15], $0x40, s11, s15, $0xb8;
	[tilespmem:$0x1E400] =	vst v63  }
0xb2: {  	s11 =	sadd.s32 $0x980, s14  }
0xb3: {  	[tilespmem:s30], [sflag:$0x2] =	stream.indirect.gather [hbm4b:s3+s15], $0x40, s11, s15, $0xb8;
	[tilespmem:$0x1E400] =	vst v63  }
0xb4: {  	_ =	swait.ge [sflag:s29], $0x2000  }
0xb5: {  	[sflag:s29] =	ssyncset.done $0x0  }
0xb6: {  	[sflag:s29] =	ssyncadd.s32 $0xFFFFE000  }
0xb7: {  	_ =	swait.ge [sflag:s29], $0x2000  }
0xb8: {  	[sflag:s29] =	ssyncset.done $0x0  }
0xb9: {  	[sflag:s29] =	ssyncadd.s32 $0xFFFFE000  }
0xba: {  	_ =	swait.ge [sflag:s29], $0x2000  }
0xbb: {  	[sflag:s29] =	ssyncset.done $0x0  }
0xbc: {  	[sflag:s29] =	ssyncadd.s32 $0xFFFFE000  }
0xbd: {  	_ =	swait.ge [sflag:s29], $0x2000  }
0xbe: {  	[sflag:s29] =	ssyncset.done $0x0  }
0xbf: {  	[sflag:s29] =	ssyncadd.s32 $0xFFFFE000  }
0xc0: {  	[hbm4b:s8+s31] =	stream.strided.scatter [tilespmem:s16], [sflag:$0x4], $0x8000, s15, s31, $0x38;
	[tilespmem:$0x1E400] =	vst v63  }
0xc1: {  	_ =	swait.ge [sflag:s4], $0x8000  }
0xc2: {  	[sflag:s4] =	ssyncset.done $0x0  }
0xc3: {  	s11 =	sadd.s32 $0xA00, s14;
	[sflag:s4] =	ssyncadd.s32 $0xFFFF8000  }
0xc4: {  	[tilespmem:s1], [sflag:$0x3] =	stream.indirect.gather [hbm4b:s3+s15], $0x40, s11, s15, $0xb8;
	[tilespmem:$0x1E400] =	vst v63  }
0xc5: {  	s11 =	sadd.s32 $0xA80, s14  }
0xc6: {  	[tilespmem:s18], [sflag:$0x3] =	stream.indirect.gather [hbm4b:s3+s15], $0x40, s11, s15, $0xb8;
	[tilespmem:$0x1E400] =	vst v63  }
0xc7: {  	s11 =	sadd.s32 $0xB00, s14  }
0xc8: {  	[tilespmem:s22], [sflag:$0x3] =	stream.indirect.gather [hbm4b:s3+s15], $0x40, s11, s15, $0xb8;
	[tilespmem:$0x1E400] =	vst v63  }
0xc9: {  	s11 =	sadd.s32 $0xB80, s14  }
0xca: {  	[tilespmem:s26], [sflag:$0x3] =	stream.indirect.gather [hbm4b:s3+s15], $0x40, s11, s15, $0xb8;
	[tilespmem:$0x1E400] =	vst v63  }
0xcb: {  	_ =	swait.ge [sflag:s0], $0x2000  }
0xcc: {  	[sflag:s0] =	ssyncset.done $0x0  }
0xcd: {  	[sflag:s0] =	ssyncadd.s32 $0xFFFFE000  }
0xce: {  	_ =	swait.ge [sflag:s0], $0x2000  }
0xcf: {  	[sflag:s0] =	ssyncset.done $0x0  }
0xd0: {  	[sflag:s0] =	ssyncadd.s32 $0xFFFFE000  }
0xd1: {  	_ =	swait.ge [sflag:s0], $0x2000  }
.Ltmp0:
0xd2: {  	[sflag:s0] =	ssyncset.done $0x0;
	(pc) =	sbr.rel @p0 .LBB2_2-.Ltmp0, $4  }
0xd3: {  	[sflag:s0] =	ssyncadd.s32 $0xFFFFE000  }
0xd4: {  	_ =	swait.ge [sflag:s0], $0x2000  }
0xd5: {  	s8 =	sadd.s32 $0x6000, s8;
	[sflag:s0] =	ssyncset.done $0x0  }
0xd6: {  	s10 =	sadd.s32 $0x6000, s10;
	s9 =	sadd.s32 $0x6000, s9;
	[sflag:s0] =	ssyncadd.s32 $0xFFFFE000  }
0xd7: {  	[hbm4b:s12+s31] =	stream.strided.scatter [tilespmem:s23], [sflag:$0x5], $0x8000, s15, s31, $0x38;
	[tilespmem:$0x1E400] =	vst v63  }
0xd8: {  	_ =	swait.ge [sflag:s20], $0x8000  }
0xd9: {  	[sflag:s20] =	ssyncset.done $0x0  }
0xda: {  	s7 =	simm.s32 $0x6000;
	[sflag:s20] =	ssyncadd.s32 $0xFFFF8000  }
0xdb: {  	[tilespmem:s16], [sflag:$0x1] =	stream.indirect.gather [hbm4b:s3+s15], $0x40, s7, s15, $0xb8;
	[tilespmem:$0x1E400] =	vst v63  }
0xdc: {  	s9 =	simm.s32 $0x6080  }
0xdd: {  	[tilespmem:s17], [sflag:$0x1] =	stream.indirect.gather [hbm4b:s3+s15], $0x40, s9, s15, $0xb8;
	[tilespmem:$0x1E400] =	vst v63  }
0xde: {  	s10 =	simm.s32 $0x6100  }
0xdf: {  	[tilespmem:s19], [sflag:$0x1] =	stream.indirect.gather [hbm4b:s3+s15], $0x40, s10, s15, $0xb8;
	[tilespmem:$0x1E400] =	vst v63  }
0xe0: {  	s11 =	simm.s32 $0x6180  }
0xe1: {  	[tilespmem:s21], [sflag:$0x1] =	stream.indirect.gather [hbm4b:s3+s15], $0x40, s11, s15, $0xb8;
	[tilespmem:$0x1E400] =	vst v63  }
0xe2: {  	_ =	swait.ge [sflag:s24], $0x2000  }
0xe3: {  	[sflag:s24] =	ssyncset.done $0x0  }
0xe4: {  	[sflag:s24] =	ssyncadd.s32 $0xFFFFE000  }
0xe5: {  	_ =	swait.ge [sflag:s24], $0x2000  }
0xe6: {  	[sflag:s24] =	ssyncset.done $0x0  }
0xe7: {  	[sflag:s24] =	ssyncadd.s32 $0xFFFFE000  }
0xe8: {  	_ =	swait.ge [sflag:s24], $0x2000  }
0xe9: {  	[sflag:s24] =	ssyncset.done $0x0  }
0xea: {  	[sflag:s24] =	ssyncadd.s32 $0xFFFFE000  }
0xeb: {  	_ =	swait.ge [sflag:s24], $0x2000  }
0xec: {  	[sflag:s24] =	ssyncset.done $0x0  }
0xed: {  	s12 =	rddreg [dreg:$0x6];
	[sflag:s24] =	ssyncadd.s32 $0xFFFFE000  }
0xee: {  	[hbm4b:s12+s31] =	stream.strided.scatter [tilespmem:s1], [sflag:$0x6], $0x8000, s15, s31, $0x38;
	[tilespmem:$0x1E400] =	vst v63  }
0xef: {  	_ =	swait.ge [sflag:s2], $0x8000  }
0xf0: {  	[sflag:s2] =	ssyncset.done $0x0  }
0xf1: {  	s14 =	simm.s32 $0x6200;
	[sflag:s2] =	ssyncadd.s32 $0xFFFF8000  }
0xf2: {  	[tilespmem:s23], [sflag:$0x2] =	stream.indirect.gather [hbm4b:s3+s15], $0x40, s14, s15, $0xb8;
	[tilespmem:$0x1E400] =	vst v63  }
0xf3: {  	s8 =	simm.s32 $0x6280  }
0xf4: {  	[tilespmem:s25], [sflag:$0x2] =	stream.indirect.gather [hbm4b:s3+s15], $0x40, s8, s15, $0xb8;
	[tilespmem:$0x1E400] =	vst v63  }
0xf5: {  	s9 =	simm.s32 $0x6300  }
0xf6: {  	[tilespmem:s28], [sflag:$0x2] =	stream.indirect.gather [hbm4b:s3+s15], $0x40, s9, s15, $0xb8;
	[tilespmem:$0x1E400] =	vst v63  }
0xf7: {  	s10 =	simm.s32 $0x6380  }
0xf8: {  	[tilespmem:s30], [sflag:$0x2] =	stream.indirect.gather [hbm4b:s3+s15], $0x40, s10, s15, $0xb8;
	[tilespmem:$0x1E400] =	vst v63  }
0xf9: {  	_ =	swait.ge [sflag:s29], $0x2000  }
0xfa: {  	[sflag:s29] =	ssyncset.done $0x0  }
0xfb: {  	[sflag:s29] =	ssyncadd.s32 $0xFFFFE000  }
0xfc: {  	_ =	swait.ge [sflag:s29], $0x2000  }
0xfd: {  	[sflag:s29] =	ssyncset.done $0x0  }
0xfe: {  	[sflag:s29] =	ssyncadd.s32 $0xFFFFE000  }
0xff: {  	_ =	swait.ge [sflag:s29], $0x2000  }
0x100: {  	[sflag:s29] =	ssyncset.done $0x0  }
0x101: {  	[sflag:s29] =	ssyncadd.s32 $0xFFFFE000  }
0x102: {  	_ =	swait.ge [sflag:s29], $0x2000  }
0x103: {  	[sflag:s29] =	ssyncset.done $0x0  }
0x104: {  	s11 =	rddreg [dreg:$0x7];
	[sflag:s29] =	ssyncadd.s32 $0xFFFFE000  }
0x105: {  	[hbm4b:s11+s31] =	stream.strided.scatter [tilespmem:s16], [sflag:$0x4], $0x8000, s15, s31, $0x38;
	[tilespmem:$0x1E400] =	vst v63  }
0x106: {  	_ =	swait.ge [sflag:s0], $0x2000  }
0x107: {  	[sflag:s0] =	ssyncset.done $0x0  }
0x108: {  	[sflag:s0] =	ssyncadd.s32 $0xFFFFE000  }
0x109: {  	_ =	swait.ge [sflag:s0], $0x2000  }
0x10a: {  	[sflag:s0] =	ssyncset.done $0x0  }
0x10b: {  	[sflag:s0] =	ssyncadd.s32 $0xFFFFE000  }
0x10c: {  	_ =	swait.ge [sflag:s0], $0x2000  }
0x10d: {  	[sflag:s0] =	ssyncset.done $0x0  }
0x10e: {  	[sflag:s0] =	ssyncadd.s32 $0xFFFFE000  }
0x10f: {  	_ =	swait.ge [sflag:s0], $0x2000  }
0x110: {  	[sflag:s0] =	ssyncset.done $0x0  }
0x111: {  	s12 =	rddreg [dreg:$0x8];
	[sflag:s0] =	ssyncadd.s32 $0xFFFFE000  }
0x112: {  	[hbm4b:s12+s31] =	stream.strided.scatter [tilespmem:s23], [sflag:$0x5], $0x8000, s15, s31, $0x38;
	[tilespmem:$0x1E400] =	vst v63  }
0x113: {  	_ =	swait.ge [sflag:s4], $0x8000  }
0x114: {  	[sflag:s4] =	ssyncset.done $0x0  }
0x115: {  	[sflag:s4] =	ssyncadd.s32 $0xFFFF8000  }
0x116: {  	_ =	swait.ge [sflag:s20], $0x8000  }
0x117: {  	[sflag:s20] =	ssyncset.done $0x0  }
0x118: {  	[sflag:s20] =	ssyncadd.s32 $0xFFFF8000  }
0x119: {  	_ =	swait.ge [sflag:s2], $0x8000  }
0x11a: {  	s6 =	sadd.s32 $0x1, s6;
	s14 =	rddreg [dreg:$0x9]  }
0x11b: {  	p0 =	sne.s32 s6, s14  }
.Ltmp1:
0x11c: {  	_ = 	snop;
	(pc) =	sbr.rel @p0 .LBB2_1-.Ltmp1, $3  }
0x11d: {  	_ =	sdelay $0x1  }
0x11e: {  	[sflag:s2] =	ssyncset.done $0x0  }
0x11f: {  	[sflag:s2] =	ssyncadd.s32 $0xFFFF8000  }
0x120: {  	_ =	sfence.sel $0x180000  }
0x121: {  	[bflag:$0x0] =	sbarrier.arrive $0xFFFF  }
0x122: {  	_ =	strace $0x90000047  }
0x123: {  	s0 =	stileid.u32;
	[bflag:$0x2] =	sbarrier.arrive $0xFFFF  }
0x124: {  	p0 =	sne.s32 s0, $0x0;
	s0 =	rddreg [dreg:$0x2]  }
0x125: {  	s0 =	sadd.s32 @!p0 $0x100000, s0  }
0x126: {  	[sflag:s0] =	ssyncadd.tile.s32 @!p0 $0x1;
	_ =	shalt  }
.Lfunc_end2:
_tile_overlayer_lowered:
.L_overlay_start_2:
0x127: {  	(tag) =	ssettag $0x2  }
0x128: {  	s0 =	rddreg [dreg:$0x0];
	s2 =	stileid.u32  }
0x129: {  	s1 =	rddreg [dreg:$0x1];
	p0 =	sne.s32 s2, $0x0  }
0x12a: {  	s3 =	rddreg [dreg:$0x2];
	[bflag:$0x3] =	sbarrier.arrive $0xFFFF;
	s2 =	simm.s32 @!p0 $0x1C07  }
0x12b: {  	[timem:s3], [sflag:s2] =	dma.local @!p0 [hbm:s0], s1  }
0x12c: {  	s0 =	simm.s32 @!p0 $0x7  }
0x12d: {  	_ =	swait.ge @!p0 [sflag:s0], s1  }
0x12e: {  	s1 =	ssub.s32 @!p0 $0x0, s1;
	[sflag:s0] =	ssyncset.done @!p0 $0x0  }
0x12f: {  	[sflag:s0] =	ssyncadd.s32 @!p0 s1  }
0x130: {  	[bflag:$0x3] =	sbarrier.arrive $0xFFFF  }
0x131: {  	_ =	shalt  }

</sc_bundles>
